<compile_context>
chip_gen: v7x
topology: tpu7x:2x2x1
jax: 0.10.2.dev20260603
libtpu: 0.0.44.dev20260713+nightly
codegen_flags: <defaults>
</compile_context>

<pallas_src>
import functools

import jax
import jax.numpy as jnp
from jax import lax
from jax.experimental import pallas as pl
from jax.experimental.pallas import tpu as pltpu
from jax.experimental.pallas import tpu_sc as plsc

N_IN = 200000
C = 64
HALF = 32
NZ = 32
GRID_C = 32
NSEG = GRID_C ** 3

BLK = 2048
N_PAD = 200704

NC = 2
NS = 16
PKT = 128
PTS_PER_TILE = N_PAD // NS
NPKT = PTS_PER_TILE // PKT
ROWS_PER_TILE = NSEG // NS
OUT_CHUNK = 256


def _tc_body(coords_ref, feat_ref, kern_ref, out_ref, flat_ref):
    f = feat_ref[...]
    kid = coords_ref[:, 1:2]
    f4 = jnp.concatenate([f, f, f, f], axis=1).astype(jnp.bfloat16)
    kidb = jnp.broadcast_to(kid, (BLK, 4 * C)).astype(jnp.bfloat16)
    zpat = (lax.broadcasted_iota(jnp.int32, (BLK, 4 * C), 1) // C
            ).astype(jnp.bfloat16)
    d = kidb - zpat
    acc = jnp.zeros((BLK, C), jnp.float32)
    for g in range(8):
        fp = jnp.where(d == 4 * g, f4, jnp.bfloat16(0))
        acc = acc + jnp.dot(fp, kern_ref[g], preferred_element_type=jnp.float32)
    rid = (lax.broadcasted_iota(jnp.int32, (BLK, 1), 0)
           + pl.program_id(0) * BLK)
    valid = rid < N_IN
    out_ref[...] = jnp.where(jnp.broadcast_to(valid, (BLK, C)), acc, 0.0)
    flat = (coords_ref[:, 0:1] * (GRID_C * GRID_C)
            + coords_ref[:, 2:3] * GRID_C
            + coords_ref[:, 3:4])
    flat_ref[...] = jnp.where(valid, flat, 0)


def _tc_stage(coords_p, feats_p, kern_packed):
    return pl.pallas_call(
        _tc_body,
        grid=(N_PAD // BLK,),
        in_specs=[
            pl.BlockSpec((BLK, 4), lambda i: (i, 0)),
            pl.BlockSpec((BLK, C), lambda i: (i, 0)),
            pl.BlockSpec((8, 4 * C, C), lambda i: (0, 0, 0)),
        ],
        out_specs=[
            pl.BlockSpec((BLK, C), lambda i: (i, 0)),
            pl.BlockSpec((BLK, 1), lambda i: (i, 0)),
        ],
        out_shape=[
            jax.ShapeDtypeStruct((N_PAD, C), jnp.float32),
            jax.ShapeDtypeStruct((N_PAD, 1), jnp.int32),
        ],
    )(coords_p, feats_p, kern_packed)


@functools.lru_cache(maxsize=None)
def _sc_scatter_kernel():
    @functools.partial(
        pl.kernel,
        mesh=plsc.VectorSubcoreMesh(core_axis_name="c", subcore_axis_name="s"),
        out_type=jax.ShapeDtypeStruct((NSEG, C), jnp.float32),
        scratch_types=[
            pltpu.VMEM((PKT,), jnp.int32),
            pltpu.VMEM((PKT, HALF), jnp.float32),
            pltpu.VMEM((OUT_CHUNK, HALF), jnp.float32),
            pltpu.VMEM_SHARED((NSEG, HALF), jnp.float32),
        ],
        compiler_params=pltpu.CompilerParams(use_tc_tiling_on_sc=False),
    )
    def _sc_scatter(rows_hbm, flat_hbm, out_hbm,
                    idx_v, rows_v, buf_v, acc_sh):
        cid = lax.axis_index("c")
        sid = lax.axis_index("s")

        zv = jnp.zeros((16,), jnp.float32)

        @pl.loop(0, OUT_CHUNK)
        def _zrow(r):
            buf_v[r, pl.ds(0, 16)] = zv
            buf_v[r, pl.ds(16, 16)] = zv

        @pl.loop(0, ROWS_PER_TILE // OUT_CHUNK)
        def _init(t):
            sl_t = pl.ds(sid * ROWS_PER_TILE + t * OUT_CHUNK, OUT_CHUNK)
            pltpu.sync_copy(buf_v, acc_sh.at[sl_t])

        plsc.subcore_barrier()

        def run(coff):
            @pl.loop(0, NPKT)
            def _packets(j):
                pbase = sid * PTS_PER_TILE + j * PKT
                pltpu.sync_copy(flat_hbm.at[pl.ds(pbase, PKT)], idx_v)
                pltpu.sync_copy(
                    rows_hbm.at[pl.ds(pbase, PKT), pl.ds(coff, HALF)], rows_v)
                pltpu.sync_copy(rows_v, acc_sh.at[idx_v], add=True)

        @pl.when(cid == 0)
        def _():
            run(0)

        @pl.when(cid == 1)
        def _():
            run(HALF)

        plsc.subcore_barrier()

        @pl.loop(0, ROWS_PER_TILE // OUT_CHUNK)
        def _out(t):
            sl_t = pl.ds(sid * ROWS_PER_TILE + t * OUT_CHUNK, OUT_CHUNK)
            pltpu.sync_copy(acc_sh.at[sl_t], buf_v)

            @pl.when(cid == 0)
            def _():
                pltpu.sync_copy(buf_v, out_hbm.at[sl_t, pl.ds(0, HALF)])

            @pl.when(cid == 1)
            def _():
                pltpu.sync_copy(buf_v, out_hbm.at[sl_t, pl.ds(HALF, HALF)])

    return _sc_scatter


def kernel(features, coords, cur_stride, kernel):
    zsel = jnp.arange(NZ, dtype=jnp.int32) // jnp.asarray(cur_stride, jnp.int32)
    kern_eff = jnp.take(kernel, zsel, axis=0)
    kern_packed = kern_eff.reshape(8, 4 * C, C).astype(jnp.bfloat16)

    n = features.shape[0]
    feats_p = jnp.pad(features, ((0, N_PAD - n), (0, 0)))
    coords_p = jnp.pad(coords, ((0, N_PAD - n), (0, 0)))
    rows, flat = _tc_stage(coords_p, feats_p, kern_packed)
    return _sc_scatter_kernel()(rows, flat.reshape(N_PAD))

# --- scband reference (transcript-rebuilt; emitter-appended) ---
"""Pipeline reference for scband-to-bevconvolution-43817256354330 (READ-ONLY COPY).

The authoritative reference and input builder live on the scoring server;
editing this copy changes nothing except your own understanding.
"""

import jax, jax.numpy as jnp
import numpy as np

N = 200000
IN_C = 64
OUT_C = 64
N_KERNELS = 32
Z_DIM = 1
STRIDE = 1
GRID = 32


def setup_inputs(seed: int = 0) -> dict:
    key = jax.random.key(seed)
    k1, k2, k3 = jax.random.split(key, 3)
    features = jax.random.normal(k1, (N, IN_C), dtype=jnp.float32)
    coords = jax.random.randint(k2, (N, 4), 0, GRID, dtype=jnp.int32)
    std = 1.0 / np.sqrt(IN_C)
    kernel = jax.random.uniform(k3, (N_KERNELS, IN_C, OUT_C), dtype=jnp.float32, minval=-std, maxval=std)
    return {"features": features, "coords": coords, "cur_stride": 1, "kernel": kernel}


def reference(features, coords, cur_stride, kernel):
    # per-point kernel selection by z coordinate (index_select on kernel)
    kidx = coords[:, Z_DIM] // cur_stride
    kernels = jnp.take(kernel, kidx, axis=0)  # [N, IN_C, OUT_C]
    # per-point matvec: (features.unsqueeze(-1) * kernels).sum(1)
    out_feats = jnp.sum(features[:, :, None] * kernels, axis=1)  # [N, OUT_C]
    # zero out z coordinate -> project to BEV
    out_coords = coords.T
    out_coords = out_coords.at[Z_DIM, :].set(0)
    ratio = cur_stride * STRIDE
    if STRIDE > 1:
        out_coords = out_coords.at[:3].set((out_coords[:3] // ratio) * ratio)
    # coalesce: scatter-add duplicate coordinates (z is zeroed, so index over the
    # remaining 3 coordinate columns)
    c0 = out_coords[0].astype(jnp.int32)
    c2 = out_coords[2].astype(jnp.int32)
    c3 = out_coords[3].astype(jnp.int32)
    flat = c0 * (GRID * GRID) + c2 * GRID + c3
    bev = jax.ops.segment_sum(out_feats, flat, num_segments=GRID ** 3)  # [32768, OUT_C]
    return bev

if __name__ == "__main__":
    import jax
    _d = setup_inputs()
    print(jax.jit(kernel)(*tuple(_d.values())))

</pallas_src>

<mosaic_0001>
#map = affine_map<(d0, d1) -> (0, 0)>
#map1 = affine_map<(d0, d1) -> (0)>
module attributes {stable_mosaic.version = 14 : i64} {
  func.func @_sc_scatter(%arg0: i32, %arg1: i32, %arg2: memref<200704x64xf32, #tpu.memory_space<hbm>>, %arg3: memref<200704xi32, #tpu.memory_space<hbm>>, %arg4: memref<32768x64xf32, #tpu.memory_space<hbm>>, %arg5: memref<128xi32, #tpu.memory_space<vmem>>, %arg6: memref<128x32xf32, #tpu.memory_space<vmem>>, %arg7: memref<256x32xf32, #tpu.memory_space<vmem>>, %arg8: memref<32768x32xf32, #tpu.memory_space<vmem_shared>>) attributes {dimension_semantics = [#tpu.dimension_semantics<core_parallel>, #tpu.dimension_semantics<subcore_parallel>], iteration_bounds = array<i64: 2, 16>, scalar_prefetch = 0 : i64, scratch_operands = 4 : i64, tpu.core_type = #tpu.core_type<sc_vector_subcore>, window_params = [{transform_indices = #map}, {transform_indices = #map1}, {transform_indices = #map}]} {
    %broadcast_in_dim3A = arith.constant 0.000000e+00 : f32
    %broadcast_in_dim3A_0 = vector.broadcast %broadcast_in_dim3A : f32 to vector<16xf32>
    %scan3A = arith.constant 0 : i32
    %scan3A_1 = arith.constant 256 : i32
    %scan3A_2 = arith.addi %scan3A, %scan3A_1 : i32
    %scan3A_3 = arith.constant 1 : i32
    scf.for %scan3A_23 = %scan3A to %scan3A_2 step %scan3A_3  : i32 {
      %mul3A = arith.constant 1 : i32
      %mul3A_24 = arith.muli %scan3A_23, %mul3A : i32
      %add3A = arith.constant 0 : i32
      %add3A_25 = arith.addi %add3A, %mul3A_24 : i32
      %swap3A = arith.index_cast %add3A_25 : i32 to index
      %swap3A_26 = arith.constant 0 : index
      %swap3A_27 = tpu.vector_load %arg7[%swap3A, %swap3A_26] {strides = array<i32>} : memref<256x32xf32, #tpu.memory_space<vmem>>, vector<1x16xf32>,
      %swap3A_28 = vector.shape_cast %swap3A_27 : vector<1x16xf32> to vector<16xf32>
      %swap3A_29 = vector.shape_cast %broadcast_in_dim3A_0 : vector<16xf32> to vector<1x16xf32>
      tpu.vector_store %arg7[%swap3A, %swap3A_26], %swap3A_29 {strides = array<i32>} : memref<256x32xf32, #tpu.memory_space<vmem>>, vector<1x16xf32>,
      %swap3A_30 = arith.index_cast %add3A_25 : i32 to index
      %swap3A_31 = arith.constant 16 : index
      %swap3A_32 = tpu.vector_load %arg7[%swap3A_30, %swap3A_31] {strides = array<i32>} : memref<256x32xf32, #tpu.memory_space<vmem>>, vector<1x16xf32>,
      %swap3A_33 = vector.shape_cast %swap3A_32 : vector<1x16xf32> to vector<16xf32>
      %swap3A_34 = vector.shape_cast %broadcast_in_dim3A_0 : vector<16xf32> to vector<1x16xf32>
      tpu.vector_store %arg7[%swap3A_30, %swap3A_31], %swap3A_34 {strides = array<i32>} : memref<256x32xf32, #tpu.memory_space<vmem>>, vector<1x16xf32>,
    }
    %scan3A_4 = arith.constant 256 : i32
    %scan3A_5 = arith.constant 0 : i32
    %scan3A_6 = arith.constant 8 : i32
    %scan3A_7 = arith.addi %scan3A_5, %scan3A_6 : i32
    %scan3A_8 = arith.constant 1 : i32
    scf.for %scan3A_23 = %scan3A_5 to %scan3A_7 step %scan3A_8  : i32 {
      %mul3A = arith.constant 1 : i32
      %mul3A_24 = arith.muli %scan3A_23, %mul3A : i32
      %add3A = arith.constant 0 : i32
      %add3A_25 = arith.addi %add3A, %mul3A_24 : i32
      %mul3A_26 = arith.constant 2048 : i32
      %mul3A_27 = arith.muli %arg1, %mul3A_26 : i32
      %mul3A_28 = arith.constant 256 : i32
      %mul3A_29 = arith.muli %add3A_25, %mul3A_28 : i32
      %add3A_30 = arith.addi %mul3A_27, %mul3A_29 : i32
      "tpu.region"() ({
        %run_scoped3A = tpu.sem_alloc : memref<!tpu.dma_semaphore, #tpu.memory_space<semaphore_mem>>
        %dma_start3A = arith.constant 0 : i32
        %dma_start3A_31 = tpu.memref_slice %arg8[%add3A_30, %dma_start3A] : memref<32768x32xf32, #tpu.memory_space<vmem_shared>> -> memref<256x32xf32, #tpu.memory_space<vmem_shared>>
        %dma_start3A_32 = arith.constant 0 : i32
        %dma_start3A_33 = tpu.memref_slice %arg8[%add3A_30, %dma_start3A_32] : memref<32768x32xf32, #tpu.memory_space<vmem_shared>> -> memref<256x32xf32, #tpu.memory_space<vmem_shared>>
        tpu.enqueue_dma source(%arg7 : memref<256x32xf32, #tpu.memory_space<vmem>>) target(%dma_start3A_33 : memref<256x32xf32, #tpu.memory_space<vmem_shared>>) target_semaphore(%run_scoped3A : memref<!tpu.dma_semaphore, #tpu.memory_space<semaphore_mem>>)
        %dma_wait3A = arith.constant 0 : i32
        %dma_wait3A_34 = tpu.memref_slice %arg8[%add3A_30, %dma_wait3A] : memref<32768x32xf32, #tpu.memory_space<vmem_shared>> -> memref<256x32xf32, #tpu.memory_space<vmem_shared>>
        %dma_wait3A_35 = arith.constant 0 : i32
        %dma_wait3A_36 = tpu.memref_slice %arg8[%add3A_30, %dma_wait3A_35] : memref<32768x32xf32, #tpu.memory_space<vmem_shared>> -> memref<256x32xf32, #tpu.memory_space<vmem_shared>>
        tpu.wait_dma2 semaphore(%run_scoped3A : memref<!tpu.dma_semaphore, #tpu.memory_space<semaphore_mem>>) src(%arg7 : memref<256x32xf32, #tpu.memory_space<vmem>>) dst(%dma_wait3A_36 : memref<256x32xf32, #tpu.memory_space<vmem_shared>>)
        tpu.yield
      }) : () -> ()
    }
    %scan3A_9 = arith.constant 8 : i32
    %barrier3A = arith.constant 0 : index
    tpu.barrier barrier_id(%barrier3A)
    %eq3A = arith.constant 0 : i32
    %eq3A_10 = arith.cmpi eq, %arg0, %eq3A : i32
    %convert_element_type3A = arith.extui %eq3A_10 : i1 to i32
    %cond3A = arith.constant 0 : i32
    %cond3A_11 = arith.cmpi ne, %convert_element_type3A, %cond3A : i32
    scf.if %cond3A_11 {
      %scan3A_23 = arith.constant 0 : i32
      %scan3A_24 = arith.constant 98 : i32
      %scan3A_25 = arith.addi %scan3A_23, %scan3A_24 : i32
      %scan3A_26 = arith.constant 1 : i32
      scf.for %scan3A_28 = %scan3A_23 to %scan3A_25 step %scan3A_26  : i32 {
        %mul3A = arith.constant 1 : i32
        %mul3A_29 = arith.muli %scan3A_28, %mul3A : i32
        %add3A = arith.constant 0 : i32
        %add3A_30 = arith.addi %add3A, %mul3A_29 : i32
        %mul3A_31 = arith.constant 12544 : i32
        %mul3A_32 = arith.muli %arg1, %mul3A_31 : i32
        %mul3A_33 = arith.constant 128 : i32
        %mul3A_34 = arith.muli %add3A_30, %mul3A_33 : i32
        %add3A_35 = arith.addi %mul3A_32, %mul3A_34 : i32
        "tpu.region"() ({
          %run_scoped3A = tpu.sem_alloc : memref<!tpu.dma_semaphore, #tpu.memory_space<semaphore_mem>>
          %dma_start3A = tpu.memref_slice %arg3[%add3A_35] : memref<200704xi32, #tpu.memory_space<hbm>> -> memref<128xi32, #tpu.memory_space<hbm>>
          %dma_start3A_36 = tpu.memref_slice %arg3[%add3A_35] : memref<200704xi32, #tpu.memory_space<hbm>> -> memref<128xi32, #tpu.memory_space<hbm>>
          tpu.enqueue_dma source(%dma_start3A_36 : memref<128xi32, #tpu.memory_space<hbm>>) target(%arg5 : memref<128xi32, #tpu.memory_space<vmem>>) target_semaphore(%run_scoped3A : memref<!tpu.dma_semaphore, #tpu.memory_space<semaphore_mem>>)
          %dma_wait3A = tpu.memref_slice %arg3[%add3A_35] : memref<200704xi32, #tpu.memory_space<hbm>> -> memref<128xi32, #tpu.memory_space<hbm>>
          %dma_wait3A_37 = tpu.memref_slice %arg3[%add3A_35] : memref<200704xi32, #tpu.memory_space<hbm>> -> memref<128xi32, #tpu.memory_space<hbm>>
          tpu.wait_dma2 semaphore(%run_scoped3A : memref<!tpu.dma_semaphore, #tpu.memory_space<semaphore_mem>>) src(%dma_wait3A_37 : memref<128xi32, #tpu.memory_space<hbm>>) dst(%arg5 : memref<128xi32, #tpu.memory_space<vmem>>)
          tpu.yield
        }) : () -> ()
        "tpu.region"() ({
          %run_scoped3A = tpu.sem_alloc : memref<!tpu.dma_semaphore, #tpu.memory_space<semaphore_mem>>
          %dma_start3A = arith.constant 0 : i32
          %dma_start3A_36 = tpu.memref_slice %arg2[%add3A_35, %dma_start3A] : memref<200704x64xf32, #tpu.memory_space<hbm>> -> memref<128x32xf32, #tpu.memory_space<hbm>>
          %dma_start3A_37 = arith.constant 0 : i32
          %dma_start3A_38 = tpu.memref_slice %arg2[%add3A_35, %dma_start3A_37] : memref<200704x64xf32, #tpu.memory_space<hbm>> -> memref<128x32xf32, #tpu.memory_space<hbm>>
          tpu.enqueue_dma source(%dma_start3A_38 : memref<128x32xf32, #tpu.memory_space<hbm>>) target(%arg6 : memref<128x32xf32, #tpu.memory_space<vmem>>) target_semaphore(%run_scoped3A : memref<!tpu.dma_semaphore, #tpu.memory_space<semaphore_mem>>)
          %dma_wait3A = arith.constant 0 : i32
          %dma_wait3A_39 = tpu.memref_slice %arg2[%add3A_35, %dma_wait3A] : memref<200704x64xf32, #tpu.memory_space<hbm>> -> memref<128x32xf32, #tpu.memory_space<hbm>>
          %dma_wait3A_40 = arith.constant 0 : i32
          %dma_wait3A_41 = tpu.memref_slice %arg2[%add3A_35, %dma_wait3A_40] : memref<200704x64xf32, #tpu.memory_space<hbm>> -> memref<128x32xf32, #tpu.memory_space<hbm>>
          tpu.wait_dma2 semaphore(%run_scoped3A : memref<!tpu.dma_semaphore, #tpu.memory_space<semaphore_mem>>) src(%dma_wait3A_41 : memref<128x32xf32, #tpu.memory_space<hbm>>) dst(%arg6 : memref<128x32xf32, #tpu.memory_space<vmem>>)
          tpu.yield
        }) : () -> ()
        "tpu.region"() ({
          %run_scoped3A = tpu.sem_alloc : memref<!tpu.dma_semaphore, #tpu.memory_space<semaphore_mem>>
          %dma_start3A = arith.constant 0 : i32
          %dma_start3A_36 = arith.constant 0 : i32
          %dma_start3A_37 = tpu.memref_slice %arg8[%dma_start3A, %dma_start3A_36] : memref<32768x32xf32, #tpu.memory_space<vmem_shared>> -> memref<32768x32xf32, #tpu.memory_space<vmem_shared>>
          tpu.enqueue_indirect_dma source(%arg6 : memref<128x32xf32, #tpu.memory_space<vmem>>) target(%dma_start3A_37 : memref<32768x32xf32, #tpu.memory_space<vmem_shared>>) offsets(%arg5 : memref<128xi32, #tpu.memory_space<vmem>>) semaphore(%run_scoped3A : memref<!tpu.dma_semaphore, #tpu.memory_space<semaphore_mem>>) {add = true}
          %dma_wait3A = arith.constant 0 : i32
          %dma_wait3A_38 = arith.constant 0 : i32
          %dma_wait3A_39 = tpu.memref_slice %arg8[%dma_wait3A, %dma_wait3A_38] : memref<32768x32xf32, #tpu.memory_space<vmem_shared>> -> memref<32768x32xf32, #tpu.memory_space<vmem_shared>>
          tpu.wait_indirect_dma semaphore(%run_scoped3A : memref<!tpu.dma_semaphore, #tpu.memory_space<semaphore_mem>>) src(%arg6 : memref<128x32xf32, #tpu.memory_space<vmem>>) dst(%dma_wait3A_39 : memref<32768x32xf32, #tpu.memory_space<vmem_shared>>)
          tpu.yield
        }) : () -> ()
      }
      %scan3A_27 = arith.constant 98 : i32
    } else {
    }
    %eq3A_12 = arith.constant 1 : i32
    %eq3A_13 = arith.cmpi eq, %arg0, %eq3A_12 : i32
    %convert_element_type3A_14 = arith.extui %eq3A_13 : i1 to i32
    %cond3A_15 = arith.constant 0 : i32
    %cond3A_16 = arith.cmpi ne, %convert_element_type3A_14, %cond3A_15 : i32
    scf.if %cond3A_16 {
      %scan3A_23 = arith.constant 0 : i32
      %scan3A_24 = arith.constant 98 : i32
      %scan3A_25 = arith.addi %scan3A_23, %scan3A_24 : i32
      %scan3A_26 = arith.constant 1 : i32
      scf.for %scan3A_28 = %scan3A_23 to %scan3A_25 step %scan3A_26  : i32 {
        %mul3A = arith.constant 1 : i32
        %mul3A_29 = arith.muli %scan3A_28, %mul3A : i32
        %add3A = arith.constant 0 : i32
        %add3A_30 = arith.addi %add3A, %mul3A_29 : i32
        %mul3A_31 = arith.constant 12544 : i32
        %mul3A_32 = arith.muli %arg1, %mul3A_31 : i32
        %mul3A_33 = arith.constant 128 : i32
        %mul3A_34 = arith.muli %add3A_30, %mul3A_33 : i32
        %add3A_35 = arith.addi %mul3A_32, %mul3A_34 : i32
        "tpu.region"() ({
          %run_scoped3A = tpu.sem_alloc : memref<!tpu.dma_semaphore, #tpu.memory_space<semaphore_mem>>
          %dma_start3A = tpu.memref_slice %arg3[%add3A_35] : memref<200704xi32, #tpu.memory_space<hbm>> -> memref<128xi32, #tpu.memory_space<hbm>>
          %dma_start3A_36 = tpu.memref_slice %arg3[%add3A_35] : memref<200704xi32, #tpu.memory_space<hbm>> -> memref<128xi32, #tpu.memory_space<hbm>>
          tpu.enqueue_dma source(%dma_start3A_36 : memref<128xi32, #tpu.memory_space<hbm>>) target(%arg5 : memref<128xi32, #tpu.memory_space<vmem>>) target_semaphore(%run_scoped3A : memref<!tpu.dma_semaphore, #tpu.memory_space<semaphore_mem>>)
          %dma_wait3A = tpu.memref_slice %arg3[%add3A_35] : memref<200704xi32, #tpu.memory_space<hbm>> -> memref<128xi32, #tpu.memory_space<hbm>>
          %dma_wait3A_37 = tpu.memref_slice %arg3[%add3A_35] : memref<200704xi32, #tpu.memory_space<hbm>> -> memref<128xi32, #tpu.memory_space<hbm>>
          tpu.wait_dma2 semaphore(%run_scoped3A : memref<!tpu.dma_semaphore, #tpu.memory_space<semaphore_mem>>) src(%dma_wait3A_37 : memref<128xi32, #tpu.memory_space<hbm>>) dst(%arg5 : memref<128xi32, #tpu.memory_space<vmem>>)
          tpu.yield
        }) : () -> ()
        "tpu.region"() ({
          %run_scoped3A = tpu.sem_alloc : memref<!tpu.dma_semaphore, #tpu.memory_space<semaphore_mem>>
          %dma_start3A = arith.constant 32 : i32
          %dma_start3A_36 = tpu.memref_slice %arg2[%add3A_35, %dma_start3A] : memref<200704x64xf32, #tpu.memory_space<hbm>> -> memref<128x32xf32, #tpu.memory_space<hbm>>
          %dma_start3A_37 = arith.constant 32 : i32
          %dma_start3A_38 = tpu.memref_slice %arg2[%add3A_35, %dma_start3A_37] : memref<200704x64xf32, #tpu.memory_space<hbm>> -> memref<128x32xf32, #tpu.memory_space<hbm>>
          tpu.enqueue_dma source(%dma_start3A_38 : memref<128x32xf32, #tpu.memory_space<hbm>>) target(%arg6 : memref<128x32xf32, #tpu.memory_space<vmem>>) target_semaphore(%run_scoped3A : memref<!tpu.dma_semaphore, #tpu.memory_space<semaphore_mem>>)
          %dma_wait3A = arith.constant 32 : i32
          %dma_wait3A_39 = tpu.memref_slice %arg2[%add3A_35, %dma_wait3A] : memref<200704x64xf32, #tpu.memory_space<hbm>> -> memref<128x32xf32, #tpu.memory_space<hbm>>
          %dma_wait3A_40 = arith.constant 32 : i32
          %dma_wait3A_41 = tpu.memref_slice %arg2[%add3A_35, %dma_wait3A_40] : memref<200704x64xf32, #tpu.memory_space<hbm>> -> memref<128x32xf32, #tpu.memory_space<hbm>>
          tpu.wait_dma2 semaphore(%run_scoped3A : memref<!tpu.dma_semaphore, #tpu.memory_space<semaphore_mem>>) src(%dma_wait3A_41 : memref<128x32xf32, #tpu.memory_space<hbm>>) dst(%arg6 : memref<128x32xf32, #tpu.memory_space<vmem>>)
          tpu.yield
        }) : () -> ()
        "tpu.region"() ({
          %run_scoped3A = tpu.sem_alloc : memref<!tpu.dma_semaphore, #tpu.memory_space<semaphore_mem>>
          %dma_start3A = arith.constant 0 : i32
          %dma_start3A_36 = arith.constant 0 : i32
          %dma_start3A_37 = tpu.memref_slice %arg8[%dma_start3A, %dma_start3A_36] : memref<32768x32xf32, #tpu.memory_space<vmem_shared>> -> memref<32768x32xf32, #tpu.memory_space<vmem_shared>>
          tpu.enqueue_indirect_dma source(%arg6 : memref<128x32xf32, #tpu.memory_space<vmem>>) target(%dma_start3A_37 : memref<32768x32xf32, #tpu.memory_space<vmem_shared>>) offsets(%arg5 : memref<128xi32, #tpu.memory_space<vmem>>) semaphore(%run_scoped3A : memref<!tpu.dma_semaphore, #tpu.memory_space<semaphore_mem>>) {add = true}
          %dma_wait3A = arith.constant 0 : i32
          %dma_wait3A_38 = arith.constant 0 : i32
          %dma_wait3A_39 = tpu.memref_slice %arg8[%dma_wait3A, %dma_wait3A_38] : memref<32768x32xf32, #tpu.memory_space<vmem_shared>> -> memref<32768x32xf32, #tpu.memory_space<vmem_shared>>
          tpu.wait_indirect_dma semaphore(%run_scoped3A : memref<!tpu.dma_semaphore, #tpu.memory_space<semaphore_mem>>) src(%arg6 : memref<128x32xf32, #tpu.memory_space<vmem>>) dst(%dma_wait3A_39 : memref<32768x32xf32, #tpu.memory_space<vmem_shared>>)
          tpu.yield
        }) : () -> ()
      }
      %scan3A_27 = arith.constant 98 : i32
    } else {
    }
    %barrier3A_17 = arith.constant 0 : index
    tpu.barrier barrier_id(%barrier3A_17)
    %scan3A_18 = arith.constant 0 : i32
    %scan3A_19 = arith.constant 8 : i32
    %scan3A_20 = arith.addi %scan3A_18, %scan3A_19 : i32
    %scan3A_21 = arith.constant 1 : i32
    scf.for %scan3A_23 = %scan3A_18 to %scan3A_20 step %scan3A_21  : i32 {
      %mul3A = arith.constant 1 : i32
      %mul3A_24 = arith.muli %scan3A_23, %mul3A : i32
      %add3A = arith.constant 0 : i32
      %add3A_25 = arith.addi %add3A, %mul3A_24 : i32
      %mul3A_26 = arith.constant 2048 : i32
      %mul3A_27 = arith.muli %arg1, %mul3A_26 : i32
      %mul3A_28 = arith.constant 256 : i32
      %mul3A_29 = arith.muli %add3A_25, %mul3A_28 : i32
      %add3A_30 = arith.addi %mul3A_27, %mul3A_29 : i32
      "tpu.region"() ({
        %run_scoped3A = tpu.sem_alloc : memref<!tpu.dma_semaphore, #tpu.memory_space<semaphore_mem>>
        %dma_start3A = arith.constant 0 : i32
        %dma_start3A_41 = tpu.memref_slice %arg8[%add3A_30, %dma_start3A] : memref<32768x32xf32, #tpu.memory_space<vmem_shared>> -> memref<256x32xf32, #tpu.memory_space<vmem_shared>>
        %dma_start3A_42 = arith.constant 0 : i32
        %dma_start3A_43 = tpu.memref_slice %arg8[%add3A_30, %dma_start3A_42] : memref<32768x32xf32, #tpu.memory_space<vmem_shared>> -> memref<256x32xf32, #tpu.memory_space<vmem_shared>>
        tpu.enqueue_dma source(%dma_start3A_43 : memref<256x32xf32, #tpu.memory_space<vmem_shared>>) target(%arg7 : memref<256x32xf32, #tpu.memory_space<vmem>>) target_semaphore(%run_scoped3A : memref<!tpu.dma_semaphore, #tpu.memory_space<semaphore_mem>>)
        %dma_wait3A = arith.constant 0 : i32
        %dma_wait3A_44 = tpu.memref_slice %arg8[%add3A_30, %dma_wait3A] : memref<32768x32xf32, #tpu.memory_space<vmem_shared>> -> memref<256x32xf32, #tpu.memory_space<vmem_shared>>
        %dma_wait3A_45 = arith.constant 0 : i32
        %dma_wait3A_46 = tpu.memref_slice %arg8[%add3A_30, %dma_wait3A_45] : memref<32768x32xf32, #tpu.memory_space<vmem_shared>> -> memref<256x32xf32, #tpu.memory_space<vmem_shared>>
        tpu.wait_dma2 semaphore(%run_scoped3A : memref<!tpu.dma_semaphore, #tpu.memory_space<semaphore_mem>>) src(%dma_wait3A_46 : memref<256x32xf32, #tpu.memory_space<vmem_shared>>) dst(%arg7 : memref<256x32xf32, #tpu.memory_space<vmem>>)
        tpu.yield
      }) : () -> ()
      %eq3A_31 = arith.constant 0 : i32
      %eq3A_32 = arith.cmpi eq, %arg0, %eq3A_31 : i32
      %convert_element_type3A_33 = arith.extui %eq3A_32 : i1 to i32
      %cond3A_34 = arith.constant 0 : i32
      %cond3A_35 = arith.cmpi ne, %convert_element_type3A_33, %cond3A_34 : i32
      scf.if %cond3A_35 {
        "tpu.region"() ({
          %run_scoped3A = tpu.sem_alloc : memref<!tpu.dma_semaphore, #tpu.memory_space<semaphore_mem>>
          %dma_start3A = arith.constant 0 : i32
          %dma_start3A_41 = tpu.memref_slice %arg4[%add3A_30, %dma_start3A] : memref<32768x64xf32, #tpu.memory_space<hbm>> -> memref<256x32xf32, #tpu.memory_space<hbm>>
          %dma_start3A_42 = arith.constant 0 : i32
          %dma_start3A_43 = tpu.memref_slice %arg4[%add3A_30, %dma_start3A_42] : memref<32768x64xf32, #tpu.memory_space<hbm>> -> memref<256x32xf32, #tpu.memory_space<hbm>>
          tpu.enqueue_dma source(%arg7 : memref<256x32xf32, #tpu.memory_space<vmem>>) target(%dma_start3A_43 : memref<256x32xf32, #tpu.memory_space<hbm>>) target_semaphore(%run_scoped3A : memref<!tpu.dma_semaphore, #tpu.memory_space<semaphore_mem>>)
          %dma_wait3A = arith.constant 0 : i32
          %dma_wait3A_44 = tpu.memref_slice %arg4[%add3A_30, %dma_wait3A] : memref<32768x64xf32, #tpu.memory_space<hbm>> -> memref<256x32xf32, #tpu.memory_space<hbm>>
          %dma_wait3A_45 = arith.constant 0 : i32
          %dma_wait3A_46 = tpu.memref_slice %arg4[%add3A_30, %dma_wait3A_45] : memref<32768x64xf32, #tpu.memory_space<hbm>> -> memref<256x32xf32, #tpu.memory_space<hbm>>
          tpu.wait_dma2 semaphore(%run_scoped3A : memref<!tpu.dma_semaphore, #tpu.memory_space<semaphore_mem>>) src(%arg7 : memref<256x32xf32, #tpu.memory_space<vmem>>) dst(%dma_wait3A_46 : memref<256x32xf32, #tpu.memory_space<hbm>>)
          tpu.yield
        }) : () -> ()
      } else {
      }
      %eq3A_36 = arith.constant 1 : i32
      %eq3A_37 = arith.cmpi eq, %arg0, %eq3A_36 : i32
      %convert_element_type3A_38 = arith.extui %eq3A_37 : i1 to i32
      %cond3A_39 = arith.constant 0 : i32
      %cond3A_40 = arith.cmpi ne, %convert_element_type3A_38, %cond3A_39 : i32
      scf.if %cond3A_40 {
        "tpu.region"() ({
          %run_scoped3A = tpu.sem_alloc : memref<!tpu.dma_semaphore, #tpu.memory_space<semaphore_mem>>
          %dma_start3A = arith.constant 32 : i32
          %dma_start3A_41 = tpu.memref_slice %arg4[%add3A_30, %dma_start3A] : memref<32768x64xf32, #tpu.memory_space<hbm>> -> memref<256x32xf32, #tpu.memory_space<hbm>>
          %dma_start3A_42 = arith.constant 32 : i32
          %dma_start3A_43 = tpu.memref_slice %arg4[%add3A_30, %dma_start3A_42] : memref<32768x64xf32, #tpu.memory_space<hbm>> -> memref<256x32xf32, #tpu.memory_space<hbm>>
          tpu.enqueue_dma source(%arg7 : memref<256x32xf32, #tpu.memory_space<vmem>>) target(%dma_start3A_43 : memref<256x32xf32, #tpu.memory_space<hbm>>) target_semaphore(%run_scoped3A : memref<!tpu.dma_semaphore, #tpu.memory_space<semaphore_mem>>)
          %dma_wait3A = arith.constant 32 : i32
          %dma_wait3A_44 = tpu.memref_slice %arg4[%add3A_30, %dma_wait3A] : memref<32768x64xf32, #tpu.memory_space<hbm>> -> memref<256x32xf32, #tpu.memory_space<hbm>>
          %dma_wait3A_45 = arith.constant 32 : i32
          %dma_wait3A_46 = tpu.memref_slice %arg4[%add3A_30, %dma_wait3A_45] : memref<32768x64xf32, #tpu.memory_space<hbm>> -> memref<256x32xf32, #tpu.memory_space<hbm>>
          tpu.wait_dma2 semaphore(%run_scoped3A : memref<!tpu.dma_semaphore, #tpu.memory_space<semaphore_mem>>) src(%arg7 : memref<256x32xf32, #tpu.memory_space<vmem>>) dst(%dma_wait3A_46 : memref<256x32xf32, #tpu.memory_space<hbm>>)
          tpu.yield
        }) : () -> ()
      } else {
      }
    }
    %scan3A_22 = arith.constant 8 : i32
    return
  }
}

module attributes {stable_mosaic.version = 14 : i64} {
  func.func @_tc_body(%arg0: i32, %arg1: memref<2048x4xi32, #tpu.memory_space<vmem>>, %arg2: memref<2048x64xf32, #tpu.memory_space<vmem>>, %arg3: memref<8x256x64xbf16, #tpu.memory_space<vmem>>, %arg4: memref<2048x64xf32, #tpu.memory_space<vmem>>, %arg5: memref<2048x1xi32, #tpu.memory_space<vmem>>) attributes {dimension_semantics = [#tpu.dimension_semantics<arbitrary>], iteration_bounds = array<i64: 98>, scalar_prefetch = 0 : i64, scratch_operands = 0 : i64, tpu.core_type = #tpu.core_type<tc>, window_params = [{transform_indices = @transform_0, window_bounds = array<i64: 2048, 4>}, {transform_indices = @transform_1, window_bounds = array<i64: 2048, 64>}, {pipeline_mode = #tpu.pipeline_mode<synchronous>, transform_indices = @transform_2, window_bounds = array<i64: 8, 256, 64>}, {transform_indices = @transform_3, window_bounds = array<i64: 2048, 64>}, {transform_indices = @transform_4, window_bounds = array<i64: 2048, 1>}]} {
    %get3A = arith.constant 0 : index
    %get3A_0 = arith.constant 0 : index
    %get3A_1 = vector.load %arg2[%get3A, %get3A_0] : memref<2048x64xf32, #tpu.memory_space<vmem>>, vector<2048x64xf32>
    %get3A_2 = arith.constant 0 : index
    %get3A_3 = arith.constant 1 : index
    %get3A_4 = vector.load %arg1[%get3A_2, %get3A_3] : memref<2048x4xi32, #tpu.memory_space<vmem>>, vector<2048x1xi32>
    %concatenate3A = tpu.concatenate %get3A_1, %get3A_1, %get3A_1, %get3A_1 in 1 : vector<2048x64xf32>, vector<2048x64xf32>, vector<2048x64xf32>, vector<2048x64xf32> -> vector<2048x256xf32>
    %convert_element_type3A = arith.truncf %concatenate3A : vector<2048x256xf32> to vector<2048x256xbf16>
    %broadcast_in_dim3A = vector.shape_cast %get3A_4 : vector<2048x1xi32> to vector<2048x1xi32>
    %broadcast_in_dim3A_5 = vector.broadcast %broadcast_in_dim3A : vector<2048x1xi32> to vector<2048x256xi32>
    %convert_element_type3A_6 = arith.sitofp %broadcast_in_dim3A_5 : vector<2048x256xi32> to vector<2048x256xbf16>
    %iota3A = tpu.iota {dimensions = array<i32: 1>} : vector<2048x256xi32>
    %jit3A = arith.constant 64 : i32
    %div3A = vector.broadcast %jit3A : i32 to vector<2048x256xi32>
    %div3A_7 = arith.divsi %iota3A, %div3A : vector<2048x256xi32>
    %sign3A = arith.constant 0 : i32
    %sign3A_8 = vector.broadcast %sign3A : i32 to vector<2048x256xi32>
    %sign3A_9 = arith.cmpi sgt, %iota3A, %sign3A_8 : vector<2048x256xi32>
    %sign3A_10 = arith.extui %sign3A_9 : vector<2048x256xi1> to vector<2048x256xi32>
    %sign3A_11 = arith.constant 0 : i32
    %sign3A_12 = vector.broadcast %sign3A_11 : i32 to vector<2048x256xi32>
    %sign3A_13 = arith.cmpi slt, %iota3A, %sign3A_12 : vector<2048x256xi32>
    %sign3A_14 = arith.extui %sign3A_13 : vector<2048x256xi1> to vector<2048x256xi32>
    %sign3A_15 = arith.subi %sign3A_10, %sign3A_14 : vector<2048x256xi32>
    %sign3A_16 = arith.constant 0 : i32
    %sign3A_17 = arith.cmpi sgt, %jit3A, %sign3A_16 : i32
    %sign3A_18 = arith.extui %sign3A_17 : i1 to i32
    %sign3A_19 = arith.constant 0 : i32
    %sign3A_20 = arith.cmpi slt, %jit3A, %sign3A_19 : i32
    %sign3A_21 = arith.extui %sign3A_20 : i1 to i32
    %sign3A_22 = arith.subi %sign3A_18, %sign3A_21 : i32
    %ne3A = vector.broadcast %sign3A_22 : i32 to vector<2048x256xi32>
    %ne3A_23 = arith.cmpi ne, %sign3A_15, %ne3A : vector<2048x256xi32>
    %rem3A = vector.broadcast %jit3A : i32 to vector<2048x256xi32>
    %rem3A_24 = arith.remsi %iota3A, %rem3A : vector<2048x256xi32>
    %ne3A_25 = arith.constant 0 : i32
    %ne3A_26 = vector.broadcast %ne3A_25 : i32 to vector<2048x256xi32>
    %ne3A_27 = arith.cmpi ne, %rem3A_24, %ne3A_26 : vector<2048x256xi32>
    %and3A = arith.andi %ne3A_23, %ne3A_27 : vector<2048x256xi1>
    %sub3A = arith.constant 1 : i32
    %sub3A_28 = vector.broadcast %sub3A : i32 to vector<2048x256xi32>
    %sub3A_29 = arith.subi %div3A_7, %sub3A_28 : vector<2048x256xi32>
    %select_n3A = arith.select %and3A, %sub3A_29, %div3A_7 : vector<2048x256xi1>, vector<2048x256xi32>
    %convert_element_type3A_30 = arith.sitofp %select_n3A : vector<2048x256xi32> to vector<2048x256xbf16>
    %sub3A_31 = arith.subf %convert_element_type3A_6, %convert_element_type3A_30 : vector<2048x256xbf16>
    %broadcast_in_dim3A_32 = arith.constant 0.000000e+00 : f32
    %broadcast_in_dim3A_33 = vector.broadcast %broadcast_in_dim3A_32 : f32 to vector<2048x64xf32>
    %eq3A = arith.constant 0.000000e+00 : bf16
    %eq3A_34 = vector.broadcast %eq3A : bf16 to vector<2048x256xbf16>
    %eq3A_35 = arith.cmpf oeq, %sub3A_31, %eq3A_34 : vector<2048x256xbf16>
    %jit3A_36 = arith.constant 0.000000e+00 : bf16
    %broadcast_in_dim3A_37 = vector.broadcast %jit3A_36 : bf16 to vector<2048x256xbf16>
    %select_n3A_38 = arith.select %eq3A_35, %convert_element_type3A, %broadcast_in_dim3A_37 : vector<2048x256xi1>, vector<2048x256xbf16>
    %get3A_39 = arith.constant 0 : index
    %get3A_40 = arith.constant 0 : index
    %get3A_41 = arith.constant 0 : index
    %get3A_42 = vector.load %arg3[%get3A_39, %get3A_40, %get3A_41] : memref<8x256x64xbf16, #tpu.memory_space<vmem>>, vector<1x256x64xbf16>
    %get3A_43 = vector.shape_cast %get3A_42 : vector<1x256x64xbf16> to vector<256x64xbf16>
    %dot_general3A = arith.constant dense<0.000000e+00> : vector<2048x64xf32>
    %dot_general3A_44 = tpu.matmul %select_n3A_38, %get3A_43, %dot_general3A {dimension_numbers = #tpu.dot_dimension_numbers<[1], [0], [0], [1], [0, 0, 1, 1], [], []>, transpose_lhs_hint = false} : vector<2048x256xbf16>, vector<256x64xbf16>, vector<2048x64xf32> -> vector<2048x64xf32>
    %add3A = arith.addf %broadcast_in_dim3A_33, %dot_general3A_44 : vector<2048x64xf32>
    %eq3A_45 = arith.constant 4.000000e+00 : bf16
    %eq3A_46 = vector.broadcast %eq3A_45 : bf16 to vector<2048x256xbf16>
    %eq3A_47 = arith.cmpf oeq, %sub3A_31, %eq3A_46 : vector<2048x256xbf16>
    %jit3A_48 = arith.constant 0.000000e+00 : bf16
    %broadcast_in_dim3A_49 = vector.broadcast %jit3A_48 : bf16 to vector<2048x256xbf16>
    %select_n3A_50 = arith.select %eq3A_47, %convert_element_type3A, %broadcast_in_dim3A_49 : vector<2048x256xi1>, vector<2048x256xbf16>
    %get3A_51 = arith.constant 1 : index
    %get3A_52 = arith.constant 0 : index
    %get3A_53 = arith.constant 0 : index
    %get3A_54 = vector.load %arg3[%get3A_51, %get3A_52, %get3A_53] : memref<8x256x64xbf16, #tpu.memory_space<vmem>>, vector<1x256x64xbf16>
    %get3A_55 = vector.shape_cast %get3A_54 : vector<1x256x64xbf16> to vector<256x64xbf16>
    %dot_general3A_56 = arith.constant dense<0.000000e+00> : vector<2048x64xf32>
    %dot_general3A_57 = tpu.matmul %select_n3A_50, %get3A_55, %dot_general3A_56 {dimension_numbers = #tpu.dot_dimension_numbers<[1], [0], [0], [1], [0, 0, 1, 1], [], []>, transpose_lhs_hint = false} : vector<2048x256xbf16>, vector<256x64xbf16>, vector<2048x64xf32> -> vector<2048x64xf32>
    %add3A_58 = arith.addf %add3A, %dot_general3A_57 : vector<2048x64xf32>
    %eq3A_59 = arith.constant 8.000000e+00 : bf16
    %eq3A_60 = vector.broadcast %eq3A_59 : bf16 to vector<2048x256xbf16>
    %eq3A_61 = arith.cmpf oeq, %sub3A_31, %eq3A_60 : vector<2048x256xbf16>
    %jit3A_62 = arith.constant 0.000000e+00 : bf16
    %broadcast_in_dim3A_63 = vector.broadcast %jit3A_62 : bf16 to vector<2048x256xbf16>
    %select_n3A_64 = arith.select %eq3A_61, %convert_element_type3A, %broadcast_in_dim3A_63 : vector<2048x256xi1>, vector<2048x256xbf16>
    %get3A_65 = arith.constant 2 : index
    %get3A_66 = arith.constant 0 : index
    %get3A_67 = arith.constant 0 : index
    %get3A_68 = vector.load %arg3[%get3A_65, %get3A_66, %get3A_67] : memref<8x256x64xbf16, #tpu.memory_space<vmem>>, vector<1x256x64xbf16>
    %get3A_69 = vector.shape_cast %get3A_68 : vector<1x256x64xbf16> to vector<256x64xbf16>
    %dot_general3A_70 = arith.constant dense<0.000000e+00> : vector<2048x64xf32>
    %dot_general3A_71 = tpu.matmul %select_n3A_64, %get3A_69, %dot_general3A_70 {dimension_numbers = #tpu.dot_dimension_numbers<[1], [0], [0], [1], [0, 0, 1, 1], [], []>, transpose_lhs_hint = false} : vector<2048x256xbf16>, vector<256x64xbf16>, vector<2048x64xf32> -> vector<2048x64xf32>
    %add3A_72 = arith.addf %add3A_58, %dot_general3A_71 : vector<2048x64xf32>
    %eq3A_73 = arith.constant 1.200000e+01 : bf16
    %eq3A_74 = vector.broadcast %eq3A_73 : bf16 to vector<2048x256xbf16>
    %eq3A_75 = arith.cmpf oeq, %sub3A_31, %eq3A_74 : vector<2048x256xbf16>
    %jit3A_76 = arith.constant 0.000000e+00 : bf16
    %broadcast_in_dim3A_77 = vector.broadcast %jit3A_76 : bf16 to vector<2048x256xbf16>
    %select_n3A_78 = arith.select %eq3A_75, %convert_element_type3A, %broadcast_in_dim3A_77 : vector<2048x256xi1>, vector<2048x256xbf16>
    %get3A_79 = arith.constant 3 : index
    %get3A_80 = arith.constant 0 : index
    %get3A_81 = arith.constant 0 : index
    %get3A_82 = vector.load %arg3[%get3A_79, %get3A_80, %get3A_81] : memref<8x256x64xbf16, #tpu.memory_space<vmem>>, vector<1x256x64xbf16>
    %get3A_83 = vector.shape_cast %get3A_82 : vector<1x256x64xbf16> to vector<256x64xbf16>
    %dot_general3A_84 = arith.constant dense<0.000000e+00> : vector<2048x64xf32>
    %dot_general3A_85 = tpu.matmul %select_n3A_78, %get3A_83, %dot_general3A_84 {dimension_numbers = #tpu.dot_dimension_numbers<[1], [0], [0], [1], [0, 0, 1, 1], [], []>, transpose_lhs_hint = false} : vector<2048x256xbf16>, vector<256x64xbf16>, vector<2048x64xf32> -> vector<2048x64xf32>
    %add3A_86 = arith.addf %add3A_72, %dot_general3A_85 : vector<2048x64xf32>
    %eq3A_87 = arith.constant 1.600000e+01 : bf16
    %eq3A_88 = vector.broadcast %eq3A_87 : bf16 to vector<2048x256xbf16>
    %eq3A_89 = arith.cmpf oeq, %sub3A_31, %eq3A_88 : vector<2048x256xbf16>
    %jit3A_90 = arith.constant 0.000000e+00 : bf16
    %broadcast_in_dim3A_91 = vector.broadcast %jit3A_90 : bf16 to vector<2048x256xbf16>
    %select_n3A_92 = arith.select %eq3A_89, %convert_element_type3A, %broadcast_in_dim3A_91 : vector<2048x256xi1>, vector<2048x256xbf16>
    %get3A_93 = arith.constant 4 : index
    %get3A_94 = arith.constant 0 : index
    %get3A_95 = arith.constant 0 : index
    %get3A_96 = vector.load %arg3[%get3A_93, %get3A_94, %get3A_95] : memref<8x256x64xbf16, #tpu.memory_space<vmem>>, vector<1x256x64xbf16>
    %get3A_97 = vector.shape_cast %get3A_96 : vector<1x256x64xbf16> to vector<256x64xbf16>
    %dot_general3A_98 = arith.constant dense<0.000000e+00> : vector<2048x64xf32>
    %dot_general3A_99 = tpu.matmul %select_n3A_92, %get3A_97, %dot_general3A_98 {dimension_numbers = #tpu.dot_dimension_numbers<[1], [0], [0], [1], [0, 0, 1, 1], [], []>, transpose_lhs_hint = false} : vector<2048x256xbf16>, vector<256x64xbf16>, vector<2048x64xf32> -> vector<2048x64xf32>
    %add3A_100 = arith.addf %add3A_86, %dot_general3A_99 : vector<2048x64xf32>
    %eq3A_101 = arith.constant 2.000000e+01 : bf16
    %eq3A_102 = vector.broadcast %eq3A_101 : bf16 to vector<2048x256xbf16>
    %eq3A_103 = arith.cmpf oeq, %sub3A_31, %eq3A_102 : vector<2048x256xbf16>
    %jit3A_104 = arith.constant 0.000000e+00 : bf16
    %broadcast_in_dim3A_105 = vector.broadcast %jit3A_104 : bf16 to vector<2048x256xbf16>
    %select_n3A_106 = arith.select %eq3A_103, %convert_element_type3A, %broadcast_in_dim3A_105 : vector<2048x256xi1>, vector<2048x256xbf16>
    %get3A_107 = arith.constant 5 : index
    %get3A_108 = arith.constant 0 : index
    %get3A_109 = arith.constant 0 : index
    %get3A_110 = vector.load %arg3[%get3A_107, %get3A_108, %get3A_109] : memref<8x256x64xbf16, #tpu.memory_space<vmem>>, vector<1x256x64xbf16>
    %get3A_111 = vector.shape_cast %get3A_110 : vector<1x256x64xbf16> to vector<256x64xbf16>
    %dot_general3A_112 = arith.constant dense<0.000000e+00> : vector<2048x64xf32>
    %dot_general3A_113 = tpu.matmul %select_n3A_106, %get3A_111, %dot_general3A_112 {dimension_numbers = #tpu.dot_dimension_numbers<[1], [0], [0], [1], [0, 0, 1, 1], [], []>, transpose_lhs_hint = false} : vector<2048x256xbf16>, vector<256x64xbf16>, vector<2048x64xf32> -> vector<2048x64xf32>
    %add3A_114 = arith.addf %add3A_100, %dot_general3A_113 : vector<2048x64xf32>
    %eq3A_115 = arith.constant 2.400000e+01 : bf16
    %eq3A_116 = vector.broadcast %eq3A_115 : bf16 to vector<2048x256xbf16>
    %eq3A_117 = arith.cmpf oeq, %sub3A_31, %eq3A_116 : vector<2048x256xbf16>
    %jit3A_118 = arith.constant 0.000000e+00 : bf16
    %broadcast_in_dim3A_119 = vector.broadcast %jit3A_118 : bf16 to vector<2048x256xbf16>
    %select_n3A_120 = arith.select %eq3A_117, %convert_element_type3A, %broadcast_in_dim3A_119 : vector<2048x256xi1>, vector<2048x256xbf16>
    %get3A_121 = arith.constant 6 : index
    %get3A_122 = arith.constant 0 : index
    %get3A_123 = arith.constant 0 : index
    %get3A_124 = vector.load %arg3[%get3A_121, %get3A_122, %get3A_123] : memref<8x256x64xbf16, #tpu.memory_space<vmem>>, vector<1x256x64xbf16>
    %get3A_125 = vector.shape_cast %get3A_124 : vector<1x256x64xbf16> to vector<256x64xbf16>
    %dot_general3A_126 = arith.constant dense<0.000000e+00> : vector<2048x64xf32>
    %dot_general3A_127 = tpu.matmul %select_n3A_120, %get3A_125, %dot_general3A_126 {dimension_numbers = #tpu.dot_dimension_numbers<[1], [0], [0], [1], [0, 0, 1, 1], [], []>, transpose_lhs_hint = false} : vector<2048x256xbf16>, vector<256x64xbf16>, vector<2048x64xf32> -> vector<2048x64xf32>
    %add3A_128 = arith.addf %add3A_114, %dot_general3A_127 : vector<2048x64xf32>
    %eq3A_129 = arith.constant 2.800000e+01 : bf16
    %eq3A_130 = vector.broadcast %eq3A_129 : bf16 to vector<2048x256xbf16>
    %eq3A_131 = arith.cmpf oeq, %sub3A_31, %eq3A_130 : vector<2048x256xbf16>
    %jit3A_132 = arith.constant 0.000000e+00 : bf16
    %broadcast_in_dim3A_133 = vector.broadcast %jit3A_132 : bf16 to vector<2048x256xbf16>
    %select_n3A_134 = arith.select %eq3A_131, %convert_element_type3A, %broadcast_in_dim3A_133 : vector<2048x256xi1>, vector<2048x256xbf16>
    %get3A_135 = arith.constant 7 : index
    %get3A_136 = arith.constant 0 : index
    %get3A_137 = arith.constant 0 : index
    %get3A_138 = vector.load %arg3[%get3A_135, %get3A_136, %get3A_137] : memref<8x256x64xbf16, #tpu.memory_space<vmem>>, vector<1x256x64xbf16>
    %get3A_139 = vector.shape_cast %get3A_138 : vector<1x256x64xbf16> to vector<256x64xbf16>
    %dot_general3A_140 = arith.constant dense<0.000000e+00> : vector<2048x64xf32>
    %dot_general3A_141 = tpu.matmul %select_n3A_134, %get3A_139, %dot_general3A_140 {dimension_numbers = #tpu.dot_dimension_numbers<[1], [0], [0], [1], [0, 0, 1, 1], [], []>, transpose_lhs_hint = false} : vector<2048x256xbf16>, vector<256x64xbf16>, vector<2048x64xf32> -> vector<2048x64xf32>
    %add3A_142 = arith.addf %add3A_128, %dot_general3A_141 : vector<2048x64xf32>
    %iota3A_143 = tpu.iota {dimensions = array<i32: 0>} : vector<2048x1xi32>
    %mul3A = arith.constant 2048 : i32
    %mul3A_144 = arith.muli %arg0, %mul3A : i32
    %add3A_145 = vector.broadcast %mul3A_144 : i32 to vector<2048x1xi32>
    %add3A_146 = arith.addi %iota3A_143, %add3A_145 : vector<2048x1xi32>
    %lt3A = arith.constant 200000 : i32
    %lt3A_147 = vector.broadcast %lt3A : i32 to vector<2048x1xi32>
    %lt3A_148 = arith.cmpi slt, %add3A_146, %lt3A_147 : vector<2048x1xi32>
    %broadcast_in_dim3A_149 = vector.shape_cast %lt3A_148 : vector<2048x1xi1> to vector<2048x1xi1>
    %broadcast_in_dim3A_150 = vector.broadcast %broadcast_in_dim3A_149 : vector<2048x1xi1> to vector<2048x64xi1>
    %jit3A_151 = arith.constant 0.000000e+00 : f32
    %broadcast_in_dim3A_152 = vector.broadcast %jit3A_151 : f32 to vector<2048x64xf32>
    %select_n3A_153 = arith.select %broadcast_in_dim3A_150, %add3A_142, %broadcast_in_dim3A_152 : vector<2048x64xi1>, vector<2048x64xf32>
    %swap3A = arith.constant 0 : index
    %swap3A_154 = arith.constant 0 : index
    %swap3A_155 = vector.load %arg4[%swap3A, %swap3A_154] : memref<2048x64xf32, #tpu.memory_space<vmem>>, vector<2048x64xf32>
    tpu.vector_store %arg4[%swap3A, %swap3A_154], %select_n3A_153 {strides = array<i32>} : memref<2048x64xf32, #tpu.memory_space<vmem>>, vector<2048x64xf32>,
    %get3A_156 = arith.constant 0 : index
    %get3A_157 = arith.constant 0 : index
    %get3A_158 = vector.load %arg1[%get3A_156, %get3A_157] : memref<2048x4xi32, #tpu.memory_space<vmem>>, vector<2048x1xi32>
    %mul3A_159 = arith.constant 1024 : i32
    %mul3A_160 = vector.broadcast %mul3A_159 : i32 to vector<2048x1xi32>
    %mul3A_161 = arith.muli %get3A_158, %mul3A_160 : vector<2048x1xi32>
    %get3A_162 = arith.constant 0 : index
    %get3A_163 = arith.constant 2 : index
    %get3A_164 = vector.load %arg1[%get3A_162, %get3A_163] : memref<2048x4xi32, #tpu.memory_space<vmem>>, vector<2048x1xi32>
    %mul3A_165 = arith.constant 32 : i32
    %mul3A_166 = vector.broadcast %mul3A_165 : i32 to vector<2048x1xi32>
    %mul3A_167 = arith.muli %get3A_164, %mul3A_166 : vector<2048x1xi32>
    %add3A_168 = arith.addi %mul3A_161, %mul3A_167 : vector<2048x1xi32>
    %get3A_169 = arith.constant 0 : index
    %get3A_170 = arith.constant 3 : index
    %get3A_171 = vector.load %arg1[%get3A_169, %get3A_170] : memref<2048x4xi32, #tpu.memory_space<vmem>>, vector<2048x1xi32>
    %add3A_172 = arith.addi %add3A_168, %get3A_171 : vector<2048x1xi32>
    %jit3A_173 = arith.constant 0 : i32
    %broadcast_in_dim3A_174 = vector.broadcast %jit3A_173 : i32 to vector<2048x1xi32>
    %select_n3A_175 = arith.select %lt3A_148, %add3A_172, %broadcast_in_dim3A_174 : vector<2048x1xi1>, vector<2048x1xi32>
    %swap3A_176 = arith.constant 0 : index
    %swap3A_177 = arith.constant 0 : index
    %swap3A_178 = vector.load %arg5[%swap3A_176, %swap3A_177] : memref<2048x1xi32, #tpu.memory_space<vmem>>, vector<2048x1xi32>
    tpu.vector_store %arg5[%swap3A_176, %swap3A_177], %select_n3A_175 {strides = array<i32>} : memref<2048x1xi32, #tpu.memory_space<vmem>>, vector<2048x1xi32>,
    return
  }
  func.func @transform_0(%arg0: i32) -> (i32, i32) {
    %c0_i32 = arith.constant 0 : i32
    %c0_i32_0 = arith.constant 0 : i32
    return %arg0, %c0_i32 : i32, i32
  }
  func.func @transform_1(%arg0: i32) -> (i32, i32) {
    %c0_i32 = arith.constant 0 : i32
    %c0_i32_0 = arith.constant 0 : i32
    return %arg0, %c0_i32 : i32, i32
  }
  func.func @transform_2(%arg0: i32) -> (i32, i32, i32) {
    %c0_i32 = arith.constant 0 : i32
    %c0_i32_0 = arith.constant 0 : i32
    %c0_i32_1 = arith.constant 0 : i32
    %c0_i32_2 = arith.constant 0 : i32
    return %c0_i32, %c0_i32_0, %c0_i32_1 : i32, i32, i32
  }
  func.func @transform_3(%arg0: i32) -> (i32, i32) {
    %c0_i32 = arith.constant 0 : i32
    %c0_i32_0 = arith.constant 0 : i32
    return %arg0, %c0_i32 : i32, i32
  }
  func.func @transform_4(%arg0: i32) -> (i32, i32) {
    %c0_i32 = arith.constant 0 : i32
    %c0_i32_0 = arith.constant 0 : i32
    return %arg0, %c0_i32 : i32, i32
  }
}

</mosaic_0001>

<sc_bundles>
// kernel: kernel.5.cloned.1.call-start
scs
__scs_entry_jumppad:
0x0: {  	(pc) =	sbr.rel $0x88, $3  }
0x1: {  	(tag) =	ssettag $0x0;
	lr =	simm.s32 $0x1  }
0x2: {  	[smem:$0x3F9D] =	sst lr;
	_ =	strace $0xD0000000  }
0x3: {  	_ = 	snop  }
0x4: {  	_ = 	snop  }
0x5: {  	_ = 	snop  }
0x6: {  	_ = 	snop  }
0x7: {  	_ = 	snop  }
__scs_overlays_trampoline_lowered:
0x8: {  	[smem:$0x3FAC] =	sst s0  }
0x9: {  	[smem:$0x3FAD] =	sst s1  }
0xa: {  	[smem:$0x3FAE] =	sst s2  }
0xb: {  	[smem:$0x3FAF] =	sst s3  }
0xc: {  	[smem:$0x3FB0] =	sst s4  }
0xd: {  	[smem:$0x3FB1] =	sst s5  }
0xe: {  	[smem:$0x3FB2] =	sst s6  }
0xf: {  	[smem:$0x3FB3] =	sst s7  }
0x10: {  	[smem:$0x3FB4] =	sst s8  }
0x11: {  	[smem:$0x3FB5] =	sst s9;
	s0 =	simm.s32 @!p0 $0x0  }
0x12: {  	s1 =	sld [smem:$0x3F9B];
	s0 =	simm.s32 @p0 $0x1  }
0x13: {  	[smem:$0x3FB6] =	sst s0;
	s0 =	simm.s32 @!p1 $0x0  }
0x14: {  	s2 =	sld [smem:$0x3F9A];
	s0 =	simm.s32 @p1 $0x1  }
0x15: {  	[smem:$0x3FB7] =	sst s0;
	s0 =	simm.s32 @!p2 $0x0  }
0x16: {  	s3 =	sld [smem:$0x3FDB];
	s0 =	simm.s32 @p2 $0x1  }
0x17: {  	s4 =	simm.s32 $0x1BF5;
	[smem:$0x3FB9] =	sst s0  }
0x18: {  	s0 =	sld [smem:$0x3F9C];
	_ =	swait.ge [sflag:s4], $0x0  }
0x19: {  	s7 =	sld [smem:$0x3F9D]  }
0x1a: {  	s8 =	sadd.s32 $0xFFFFE003, lr  }
0x1b: {  	s9 =	sadd.s32 $0xFFFFFEF7, lr;
	s5 =	simm.s32 $0xFFFFFFFF;
	p2 =	slt.u32 s8, $0xFFFFF086  }
0x1c: {  	p1 =	slt.u32 s9, $0xF7A;
	s5 =	simm.s32 @!p2 $0x0  }
0x1d: {  	s5 =	simm.s32 @p1 $0x1;
	p0 =	seq.s32 s7, s2  }
0x1e: {  	s7 =	smul.u32 @!p0 $0xF7A, s2;
	p2 =	seq.s32 @!p0 s5, $0x0  }
0x1f: {  	s9 =	smul.u32 $0xF7A, s1;
	s8 =	simm.s32 @!p0 $0x1BF5;
	p2 =	por !p2, p0  }
0x20: {  	[sflag:s8] =	ssyncset.s32 @!p0 $0xFFFFF086;
	s6 =	sadd.s32 @!p0 s3, s7;
	s7 =	simm.s32 @!p0 $0x108  }
0x21: {  	s3 =	sadd.s32 s3, s9;
	s6 =	sadd.s32 @!p0 $0x88, s6;
	s7 =	simm.s32 @p2 $0x1082  }
0x22: {  	[simem:s7], [sflag:s8] =	dma.local @!p0 [hbm:s6], $0xF7A  }
0x23: {  	s9 =	sor.u32 $0xD0000000, s2;
	s6 =	simm.s32 $0x108;
	_ =	swait.ge @!p0 [sflag:s8], $0x0  }
0x24: {  	s3 =	sadd.s32 $0x88, s3;
	s6 =	simm.s32 @!p1 $0x1082;
	[sflag:s4] =	ssyncset.s32 $0xFFFFF086  }
0x25: {  	[simem:s6], [sflag:s4] =	dma.local [hbm:s3], $0xF7A  }
0x26: {  	[smem:$0x3F9D] =	sst s1;
	(tag) =	ssettag s2;
	_ =	strace s9  }
0x27: {  	s1 =	sld [smem:$0x3FAD]  }
0x28: {  	s2 =	sld [smem:$0x3FAE]  }
0x29: {  	s4 =	sld [smem:$0x3FB0]  }
0x2a: {  	p0 =	seq.s32 s5, $0x0;
	s5 =	sld [smem:$0x3FB1]  }
0x2b: {  	s6 =	sld [smem:$0x3FB2]  }
0x2c: {  	s7 =	sld [smem:$0x3FB3]  }
0x2d: {  	s3 =	simm.s32 $0x108;
	s8 =	sld [smem:$0x3FB4]  }
0x2e: {  	s3 =	simm.s32 @!p0 $0x1082;
	s9 =	sld [smem:$0x3FB5]  }
0x2f: {  	lr =	sadd.s32 s0, s3;
	s0 =	sld [smem:$0x3FAC]  }
0x30: {  	s3 =	sld [smem:$0x3FAF]  }
0x31: {  	[smem:$0x3FB8] =	sst s10  }
0x32: {  	s10 =	sld [smem:$0x3FB6];
	_ =	sdelay $0x3  }
0x33: {  	p0 =	seq.s32 s10, $0x1;
	s10 =	sld [smem:$0x3FB8];
	_ =	sdelay $0x3  }
0x34: {  	[smem:$0x3FB8] =	sst s10  }
0x35: {  	s10 =	sld [smem:$0x3FB7];
	_ =	sdelay $0x3  }
0x36: {  	p1 =	seq.s32 s10, $0x1;
	s10 =	sld [smem:$0x3FB8];
	_ =	sdelay $0x3  }
0x37: {  	[smem:$0x3FB8] =	sst s10  }
0x38: {  	s10 =	sld [smem:$0x3FB9]  }
0x39: {  	_ = 	snop;
	(pc) =	sbr.ind lr, $3  }
0x3a: {  	_ = 	snop  }
0x3b: {  	_ = 	snop  }
0x3c: {  	p2 =	seq.s32 s10, $0x1;
	s10 =	sld [smem:$0x3FB8]  }
0x3d: {  	_ =	shalt  }
0x3e: {  	_ =	shalt  }
0x3f: {  	_ =	shalt  }
0x40: {  	_ =	shalt  }
0x41: {  	_ =	shalt  }
0x42: {  	_ =	shalt  }
0x43: {  	_ =	shalt  }
0x44: {  	_ =	shalt  }
0x45: {  	_ =	shalt  }
0x46: {  	_ =	shalt  }
0x47: {  	_ =	shalt  }
0x48: {  	_ =	shalt  }
0x49: {  	_ =	shalt  }
0x4a: {  	_ =	shalt  }
0x4b: {  	_ =	shalt  }
0x4c: {  	_ =	shalt  }
0x4d: {  	_ =	shalt  }
0x4e: {  	_ =	shalt  }
0x4f: {  	_ =	shalt  }
0x50: {  	_ =	shalt  }
0x51: {  	_ =	shalt  }
0x52: {  	_ =	shalt  }
0x53: {  	_ =	shalt  }
0x54: {  	_ =	shalt  }
0x55: {  	_ =	shalt  }
0x56: {  	_ =	shalt  }
0x57: {  	_ =	shalt  }
0x58: {  	_ =	shalt  }
0x59: {  	_ =	shalt  }
0x5a: {  	_ =	shalt  }
0x5b: {  	_ =	shalt  }
0x5c: {  	_ =	shalt  }
0x5d: {  	_ =	shalt  }
0x5e: {  	_ =	shalt  }
0x5f: {  	_ =	shalt  }
0x60: {  	_ =	shalt  }
0x61: {  	_ =	shalt  }
0x62: {  	_ =	shalt  }
0x63: {  	_ =	shalt  }
0x64: {  	_ =	shalt  }
0x65: {  	_ =	shalt  }
0x66: {  	_ =	shalt  }
0x67: {  	_ =	shalt  }
0x68: {  	_ =	shalt  }
0x69: {  	_ =	shalt  }
0x6a: {  	_ =	shalt  }
0x6b: {  	_ =	shalt  }
0x6c: {  	_ =	shalt  }
0x6d: {  	_ =	shalt  }
0x6e: {  	_ =	shalt  }
0x6f: {  	_ =	shalt  }
0x70: {  	_ =	shalt  }
0x71: {  	_ =	shalt  }
0x72: {  	_ =	shalt  }
0x73: {  	_ =	shalt  }
0x74: {  	_ =	shalt  }
0x75: {  	_ =	shalt  }
0x76: {  	_ =	shalt  }
0x77: {  	_ =	shalt  }
0x78: {  	_ =	shalt  }
0x79: {  	_ =	shalt  }
0x7a: {  	_ =	shalt  }
0x7b: {  	_ =	shalt  }
0x7c: {  	_ =	shalt  }
0x7d: {  	_ =	shalt  }
0x7e: {  	_ =	shalt  }
0x7f: {  	_ =	shalt  }
0x80: {  	_ =	shalt  }
0x81: {  	_ =	shalt  }
0x82: {  	_ =	shalt  }
0x83: {  	_ =	shalt  }
0x84: {  	_ =	shalt  }
0x85: {  	_ =	shalt  }
0x86: {  	_ =	shalt  }
0x87: {  	_ =	shalt  }
.Lfunc_end0:
.L_simem_size_0:
called_computation_lowered:
.L_overlay_start_0:
0x88: {  	s2 =	sld [smem:$0x3FD9]  }
0x89: {  	s3 =	sld [smem:$0x3FFE];
	_ =	sdelay $0x1  }
0x8a: {  	s1 =	srdreg.scid  }
0x8b: {  	s0 =	sand.u32 $0x1, s1  }
0x8c: {  	s17 =	sshll.u32 s0, $0xA;
	s2 =	sadd.s32 s3, s2  }
0x8d: {  	s2 =	sadd.s32 s2, s17  }
0x8e: {  	[smem:$0x3FC4] =	sst s2  }
0x8f: {  	_ = 	snop  }
0x90: {  	s2 =	sld [smem:$0x3FD0];
	(tm) =	ssettm $0x1  }
0x91: {  	s18 =	sld [smem:$0x3FFB];
	_ =	sdelay $0x3  }
0x92: {  	_ =	strace s18  }
0x93: {  	s3 =	sld [smem:$0x3FFC];
	_ =	sdelay $0x3  }
0x94: {  	_ =	strace s3  }
0x95: {  	s3 =	sld [smem:$0x3FFD];
	_ =	sdelay $0x3  }
0x96: {  	_ =	strace s3  }
0x97: {  	_ =	strace $0x8FFFFFFF  }
0x98: {  	s19 =	sld [smem:$0x3FDB];
	_ =	sdelay $0x1  }
0x99: {  	s4 =	simm.s32 $_scs_section_size  }
0x9a: {  	s5 =	simm.s32 $_size__tile_overlayer_lowered;
	s6 =	simm.s32 $_tile_overlayer_lowered  }
0x9b: {  	s22 =	simm.s32 $0x1BFF;
	s21 =	sshll.u32 s6, $0x1;
	s3 =	sadd.s32 s4, s19  }
0x9c: {  	s7 =	simm.s32 $0x0;
	s20 =	sshll.u32 s5, $0x1;
	s5 =	sadd.s32 s21, s3  }
0x9d: {  	[timem:s7], [sflag:s22] =	dma.local [hbm:s5], s20  }
0x9e: {  	_ =	swait.ge [sflag:s22], s20  }
0x9f: {  	s4 =	ssub.s32 $0x0, s20;
	[sflag:s22] =	ssyncset.done $0x0  }
0xa0: {  	[sflag:s22] =	ssyncadd.s32 s4;
	_ =	sdelay $0x1  }
0xa1: {  	s23 =	simm.s32 $0x1B8B  }
0xa2: {  	_ =	swait.ge [sflag:s23], $0x1  }
0xa3: {  	[sflag:s23] =	ssyncset.done $0x0  }
0xa4: {  	s25 =	simm.s32 $0x1B8E;
	s24 =	sld [smem:$0x3FFE];
	[sflag:s23] =	ssyncadd.s32 $0xFFFFFFFF  }
0xa5: {  	s26 =	simm.s32 $execute0_lowered;
	[smem:$0x3FD2] =	sst s25  }
0xa6: {  	s5 =	sshll.u32 s26, $0x1;
	_ =	strace $0x80000046;
	[dreg:$0x1] =	wrdreg $0xFFFFFFFF  }
0xa7: {  	s28 =	simm.s32 $_size_execute0_lowered;
	s3 =	sadd.s32 s3, s5;
	[dreg:$0x0] =	wrdreg $0x0  }
0xa8: {  	s5 =	sshll.u32 s28, $0x1;
	[dreg:$0x2] =	wrdreg s3  }
0xa9: {  	[dreg:$0x3] =	wrdreg s5  }
0xaa: {  	[dreg:$0x4] =	wrdreg $0xC0  }
0xab: {  	_ =	task [dreg:s7], $0x5FFFF  }
0xac: {  	[dreg:$0x1] =	wrdreg $0xFFFFFFFF  }
0xad: {  	[dreg:$0x0] =	wrdreg $0x60  }
0xae: {  	[dreg:$0x2] =	wrdreg s24  }
0xaf: {  	[dreg:$0x3] =	wrdreg s2  }
0xb0: {  	[dreg:$0x4] =	wrdreg $0x30800  }
0xb1: {  	[dreg:$0x5] =	wrdreg $0x9  }
0xb2: {  	_ =	task.clear_ibuf [dreg:s7], $0x6FFFF;
	_ =	strace $0x90000046  }
0xb3: {  	s29 =	simm.s32 $0x9;
	_ =	strace $0x80000048  }
0xb4: {  	_ =	swait.ge [sflag:s29], $0x1  }
0xb5: {  	[sflag:s29] =	ssyncadd.s32 $0xFFFFFFFF  }
0xb6: {  	_ =	strace $0x90000048  }
0xb7: {  	_ =	sfence  }
0xb8: {  	s30 =	sld [smem:$0x0];
	_ =	sdelay $0x2  }
0xb9: {  	s31 =	sshll.u32 s1, $0xD;
	s1 =	sshrl.u32 s1, $0x2  }
0xba: {  	s3 =	sand.u32 $0x4000, s31;
	s1 =	sadd.s32 s1, s30  }
0xbb: {  	s0 =	sor.u32 s3, s0;
	s1 =	sshll.u32 s1, $0x11  }
0xbc: {  	s0 =	sor.u32 s1, s0  }
0xbd: {  	s0 =	sadd.s32 $0x8F2B, s0  }
0xbe: {  	[sflag:s0] =	ssyncadd.remote.s32 $0x1  }
0xbf: {  	_ =	sfence.sel $0xFFFF  }
0xc0: {  	[dreg:$0x0] =	wrdreg $0xFFFFFFFF;
	(pc) =	sbr.abs _section_cstart, $3  }
0xc1: {  	[dreg:$0x1] =	wrdreg $0xFFFFFFFF  }
0xc2: {  	_ =	task.clear_ibuf [dreg:s7], $0x2FFFF;
	_ =	strace $0x9FFFFFFF  }
0xc3: {  	(tm) =	ssettm $0x7FFFFFFF  }
tec
execute0_lowered:
.L_overlay_start_1:
0x0: {  	(tag) =	ssettag $0x1  }
0x1: {  	s0 =	rddreg [dreg:$0x0]  }
0x2: {  	s1 =	rddreg [dreg:$0x1]  }
0x3: {  	s2 =	rddreg [dreg:$0x2]  }
0x4: {  	s3 =	simm.s32 $0x0;
	s10 =	stileid.u32;
	s4 =	srdreg.scid  }
0x5: {  	[smem:$0x7FF] =	sst s3;
	s5 =	smul.u32 $0x18800, s10  }
0x6: {  	s6 =	sand.u32 $0x1, s4;
	s17 =	smul.u32 $0x620, s10;
	s9 =	sshll.u32 s10, $0x10  }
0x7: {  	s18 =	sshll.u32 s10, $0xB;
	s15 =	sshll.u32 s10, $0xE;
	_ =	strace $0x80000047  }
0x8: {  	s7 =	ssub.s32 $0x2, s6;
	s4 =	sadd.s32 s9, s2;
	s14 =	sshll.u32 s6, $0x2  }
0x9: {  	s16 =	sor.u32 $0x100, s18;
	s21 =	sor.u32 $0x200, s18;
	s22 =	sor.u32 $0x300, s18  }
0xa: {  	s25 =	sor.u32 $0x500, s18;
	s26 =	sor.u32 $0x600, s18;
	p0 =	sne.s32 s6, $0x0  }
0xb: {  	p1 =	seq.s32 s6, $0x0;
	s6 =	simm.s32 $0x40;
	s5 =	sadd.s32 s5, s0  }
0xc: {  	s8 =	sshrl.u32 s7, $0x1;
	s0 =	sadd.s32 s17, s0;
	s1 =	sadd.s32 s14, s1  }
0xd: {  	s19 =	sadd.s32 $0x2000, s4;
	s20 =	sshll.u32 s16, $0x3;
	s11 =	sshll.u32 s21, $0x3  }
0xe: {  	s12 =	sshll.u32 s22, $0x3;
	s13 =	sshll.u32 s25, $0x3;
	s14 =	sshll.u32 s26, $0x3  }
0xf: {  	s21 =	sshll.u32 s21, $0x5;
	s22 =	sshll.u32 s22, $0x5;
	s28 =	sadd.s32 $0x8000, s4  }
0x10: {  	s29 =	sadd.s32 $0xA000, s4;
	s30 =	sadd.s32 $0xC000, s4;
	s31 =	sadd.s32 $0xE000, s4  }
0x11: {  	s7 =	ssub.s32 s7, s8;
	[dreg:$0x5] =	wrdreg s19;
	s9 =	sadd.s32 s1, s15  }
0x12: {  	s19 =	sor.u32 $0x400, s18;
	s11 =	sadd.s32 s1, s11;
	[dreg:$0x6] =	wrdreg s9  }
0x13: {  	s23 =	sadd.s32 s1, s12;
	s8 =	sor.u32 $0x700, s18;
	[dreg:$0x8] =	wrdreg s11  }
0x14: {  	s13 =	sadd.s32 s1, s13;
	s17 =	sadd.s32 s1, s14;
	[dreg:$0x9] =	wrdreg s23  }
0x15: {  	s15 =	sadd.s32 $0x4000, s4;
	s7 =	smax.u32 s7, $0x1;
	[dreg:$0xb] =	wrdreg s13  }
0x16: {  	s9 =	sadd.s32 s1, s20;
	s24 =	sshll.u32 s19, $0x3;
	[dreg:$0xc] =	wrdreg s17  }
0x17: {  	s18 =	sshll.u32 s8, $0x3;
	s20 =	sshll.u32 s16, $0x5;
	[dreg:$0x4] =	wrdreg s7  }
0x18: {  	s17 =	sadd.s32 s21, s2;
	s23 =	sshll.u32 s19, $0x5;
	[dreg:$0x7] =	wrdreg s9  }
0x19: {  	s11 =	sadd.s32 s1, s24;
	s1 =	sadd.s32 s1, s18;
	s16 =	sadd.s32 s20, s2  }
0x1a: {  	s18 =	sadd.s32 s22, s2;
	s19 =	sadd.s32 s23, s2;
	s24 =	sshll.u32 s25, $0x5  }
0x1b: {  	s25 =	sshll.u32 s26, $0x5;
	s26 =	sshll.u32 s8, $0x5;
	s23 =	sadd.s32 $0x310800, s5  }
.Ltmp0:
0x1c: {  	s7 =	simm.s32 $0x80;
	[dreg:$0xa] =	wrdreg s11;
	(pc) =	sbr.rel .LBB2_1-.Ltmp0, $4  }
0x1d: {  	s8 =	simm.s32 $0x2;
	s9 =	simm.s32 $0x0;
	[dreg:$0xd] =	wrdreg s1  }
0x1e: {  	s20 =	sadd.s32 s24, s2;
	s21 =	sadd.s32 s25, s2;
	s22 =	sadd.s32 s26, s2  }
0x1f: {  	s24 =	sadd.s32 $0x310804, s5;
	s25 =	sadd.s32 $0x800, s0;
	s26 =	sadd.s32 $0x6000, s4  }
0x20: {  	v0 =	vimm.f32 $0.0e+00;
	s0 =	simm.s32 $0x1080;
	s1 =	simm.s32 $0x1;
	s5 =	simm.s32 $0x20  }
.LBB2_9:
0x21: {  	s11 =	sadd.s32 s11, s25;
	[sflag:s1] =	ssyncadd.s32 $0xFFFFF000  }
0x22: {  	[tilespmem:s3], [sflag:$0x1] =	stream.linear.gather [hbm4b:s11+s3], $0x80, $0x38;
	[tilespmem:$0x13080] =	vst v63  }
0x23: {  	_ =	swait.ge [sflag:s1], $0x80  }
0x24: {  	[sflag:s1] =	ssyncset.done $0x0  }
0x25: {  	[sflag:s1] =	ssyncadd.s32 $0xFFFFFF80  }
0x26: {  	[tilespmem:s7], [sflag:$0x1] =	stream.strided.gather [hbm4b:s10+s5], $0x1000, s6, s5, $0x38;
	[tilespmem:$0x13080] =	vst v63  }
0x27: {  	_ =	swait.ge [sflag:s1], $0x1000  }
0x28: {  	[sflag:s1] =	ssyncset.done $0x0  }
0x29: {  	[sflag:s1] =	ssyncadd.s32 $0xFFFFF000  }
0x2a: {  	[spmem:s2] =	stream.indirect.scatter.add.f32 [tilespmem:s7], [sflag:$0x1], $0x20, s3, s7, $0xb8;
	[tilespmem:$0x13080] =	vst v63  }
0x2b: {  	_ =	swait.ge [sflag:s1], $0x1000  }
0x2c: {  	[sflag:s1] =	ssyncset.done $0x0  }
0x2d: {  	[sflag:s1] =	ssyncadd.s32 $0xFFFFF000  }
.LBB2_10:
0x2e: {  	[bflag:$0x0] =	sbarrier.arrive $0xFFFF  }
0x2f: {  	[tilespmem:s0], [sflag:$0x2] =	stream.linear.gather [spmem:s4], $0x2000, $0x38;
	[tilespmem:$0x13080] =	vst v63  }
0x30: {  	_ =	swait.ge [sflag:s8], $0x2000  }
0x31: {  	s10 =	simm.s32 $0x2;
	[sflag:s8] =	ssyncset.done $0x0  }
0x32: {  	s10 =	simm.s32 @!p1 $0x1;
	s11 =	rddreg [dreg:$0x6];
	[sflag:s8] =	ssyncadd.s32 $0xFFFFE000  }
0x33: {  	[hbm4b:s11+s5] =	stream.strided.scatter [tilespmem:s0], [sflag:s10], $0x2000, s6, s5, $0x38;
	[tilespmem:$0x13080] =	vst v63  }
0x34: {  	_ =	swait.ge [sflag:s10], $0x2000  }
0x35: {  	[sflag:s10] =	ssyncset.done $0x0  }
0x36: {  	[sflag:s10] =	ssyncadd.s32 $0xFFFFE000  }
0x37: {  	[tilespmem:s0], [sflag:$0x2] =	stream.linear.gather [spmem:s16], $0x2000, $0x38;
	[tilespmem:$0x13080] =	vst v63  }
0x38: {  	_ =	swait.ge [sflag:s8], $0x2000  }
0x39: {  	[sflag:s8] =	ssyncset.done $0x0  }
0x3a: {  	s13 =	rddreg [dreg:$0x7];
	[sflag:s8] =	ssyncadd.s32 $0xFFFFE000  }
0x3b: {  	[hbm4b:s13+s5] =	stream.strided.scatter [tilespmem:s0], [sflag:s10], $0x2000, s6, s5, $0x38;
	[tilespmem:$0x13080] =	vst v63  }
0x3c: {  	_ =	swait.ge [sflag:s10], $0x2000  }
0x3d: {  	[sflag:s10] =	ssyncset.done $0x0  }
0x3e: {  	[sflag:s10] =	ssyncadd.s32 $0xFFFFE000  }
0x3f: {  	[tilespmem:s0], [sflag:$0x2] =	stream.linear.gather [spmem:s17], $0x2000, $0x38;
	[tilespmem:$0x13080] =	vst v63  }
0x40: {  	_ =	swait.ge [sflag:s8], $0x2000  }
0x41: {  	[sflag:s8] =	ssyncset.done $0x0  }
0x42: {  	s14 =	rddreg [dreg:$0x8];
	[sflag:s8] =	ssyncadd.s32 $0xFFFFE000  }
0x43: {  	[hbm4b:s14+s5] =	stream.strided.scatter [tilespmem:s0], [sflag:s10], $0x2000, s6, s5, $0x38;
	[tilespmem:$0x13080] =	vst v63  }
0x44: {  	_ =	swait.ge [sflag:s10], $0x2000  }
0x45: {  	[sflag:s10] =	ssyncset.done $0x0  }
0x46: {  	[sflag:s10] =	ssyncadd.s32 $0xFFFFE000  }
0x47: {  	[tilespmem:s0], [sflag:$0x2] =	stream.linear.gather [spmem:s18], $0x2000, $0x38;
	[tilespmem:$0x13080] =	vst v63  }
0x48: {  	_ =	swait.ge [sflag:s8], $0x2000  }
0x49: {  	[sflag:s8] =	ssyncset.done $0x0  }
0x4a: {  	s12 =	rddreg [dreg:$0x9];
	[sflag:s8] =	ssyncadd.s32 $0xFFFFE000  }
0x4b: {  	[hbm4b:s12+s5] =	stream.strided.scatter [tilespmem:s0], [sflag:s10], $0x2000, s6, s5, $0x38;
	[tilespmem:$0x13080] =	vst v63  }
0x4c: {  	_ =	swait.ge [sflag:s10], $0x2000  }
0x4d: {  	[sflag:s10] =	ssyncset.done $0x0  }
0x4e: {  	[sflag:s10] =	ssyncadd.s32 $0xFFFFE000  }
0x4f: {  	[tilespmem:s0], [sflag:$0x2] =	stream.linear.gather [spmem:s19], $0x2000, $0x38;
	[tilespmem:$0x13080] =	vst v63  }
0x50: {  	_ =	swait.ge [sflag:s8], $0x2000  }
0x51: {  	[sflag:s8] =	ssyncset.done $0x0  }
0x52: {  	s13 =	rddreg [dreg:$0xa];
	[sflag:s8] =	ssyncadd.s32 $0xFFFFE000  }
0x53: {  	[hbm4b:s13+s5] =	stream.strided.scatter [tilespmem:s0], [sflag:s10], $0x2000, s6, s5, $0x38;
	[tilespmem:$0x13080] =	vst v63  }
0x54: {  	_ =	swait.ge [sflag:s10], $0x2000  }
0x55: {  	[sflag:s10] =	ssyncset.done $0x0  }
0x56: {  	[sflag:s10] =	ssyncadd.s32 $0xFFFFE000  }
0x57: {  	[tilespmem:s0], [sflag:$0x2] =	stream.linear.gather [spmem:s20], $0x2000, $0x38;
	[tilespmem:$0x13080] =	vst v63  }
0x58: {  	_ =	swait.ge [sflag:s8], $0x2000  }
0x59: {  	[sflag:s8] =	ssyncset.done $0x0  }
0x5a: {  	s14 =	rddreg [dreg:$0xb];
	[sflag:s8] =	ssyncadd.s32 $0xFFFFE000  }
0x5b: {  	[hbm4b:s14+s5] =	stream.strided.scatter [tilespmem:s0], [sflag:s10], $0x2000, s6, s5, $0x38;
	[tilespmem:$0x13080] =	vst v63  }
0x5c: {  	_ =	swait.ge [sflag:s10], $0x2000  }
0x5d: {  	[sflag:s10] =	ssyncset.done $0x0  }
0x5e: {  	[sflag:s10] =	ssyncadd.s32 $0xFFFFE000  }
0x5f: {  	[tilespmem:s0], [sflag:$0x2] =	stream.linear.gather [spmem:s21], $0x2000, $0x38;
	[tilespmem:$0x13080] =	vst v63  }
0x60: {  	_ =	swait.ge [sflag:s8], $0x2000  }
0x61: {  	[sflag:s8] =	ssyncset.done $0x0  }
0x62: {  	s12 =	rddreg [dreg:$0xc];
	[sflag:s8] =	ssyncadd.s32 $0xFFFFE000  }
0x63: {  	[hbm4b:s12+s5] =	stream.strided.scatter [tilespmem:s0], [sflag:s10], $0x2000, s6, s5, $0x38;
	[tilespmem:$0x13080] =	vst v63  }
0x64: {  	_ =	swait.ge [sflag:s10], $0x2000  }
0x65: {  	[sflag:s10] =	ssyncset.done $0x0  }
0x66: {  	[sflag:s10] =	ssyncadd.s32 $0xFFFFE000  }
0x67: {  	[tilespmem:s0], [sflag:$0x2] =	stream.linear.gather [spmem:s22], $0x2000, $0x38;
	[tilespmem:$0x13080] =	vst v63  }
0x68: {  	_ =	swait.ge [sflag:s8], $0x2000  }
0x69: {  	[sflag:s8] =	ssyncset.done $0x0  }
0x6a: {  	s13 =	rddreg [dreg:$0xd];
	[sflag:s8] =	ssyncadd.s32 $0xFFFFE000  }
0x6b: {  	[hbm4b:s13+s5] =	stream.strided.scatter [tilespmem:s0], [sflag:s10], $0x2000, s6, s5, $0x38;
	[tilespmem:$0x13080] =	vst v63  }
0x6c: {  	_ =	swait.ge [sflag:s10], $0x2000  }
0x6d: {  	s9 =	sadd.s32 $0x1, s9;
	s14 =	rddreg [dreg:$0x4]  }
0x6e: {  	p2 =	sne.s32 s9, s14  }
.Ltmp1:
0x6f: {  	_ = 	snop;
	(pc) =	sbr.rel @!p2 .LBB2_11-.Ltmp1, $3  }
0x70: {  	_ =	sdelay $0x1  }
0x71: {  	[sflag:s10] =	ssyncset.done $0x0  }
0x72: {  	[sflag:s10] =	ssyncadd.s32 $0xFFFFE000  }
.LBB2_1:
0x73: {  	s10 =	simm.s32 $0x80;
	s11 =	simm.s32 $0x0  }
.LBB2_2:
0x74: {  	p2 =	sne.s32 s10, $0x7F80;
	[tilespmem:s11+$0x1080] =	vst v0;
	s12 =	smov.u32 s10;
	s10 =	sadd.s32 $0x80, s10  }
.Ltmp2:
0x75: {  	[tilespmem:s11+$0x1090] =	vst v0;
	(pc) =	sbr.rel @p2 .LBB2_2-.Ltmp2, $2  }
0x76: {  	_ =	sdelay $0x2  }
0x77: {  	s11 =	sshra.s32 s12, $0x2  }
0x78: {  	[tilespmem:s11+$0x1080] =	vst v0  }
0x79: {  	[tilespmem:s11+$0x1090] =	vst v0  }
0x7a: {  	[spmem:s4] =	stream.linear.scatter [tilespmem:s0], [sflag:$0x1], $0x2000, $0x38;
	[tilespmem:$0x13080] =	vst v63  }
0x7b: {  	_ =	swait.ge [sflag:s1], $0x2000  }
0x7c: {  	[sflag:s1] =	ssyncset.done $0x0  }
0x7d: {  	s10 =	rddreg [dreg:$0x5];
	[sflag:s1] =	ssyncadd.s32 $0xFFFFE000  }
0x7e: {  	[spmem:s10] =	stream.linear.scatter [tilespmem:s0], [sflag:$0x1], $0x2000, $0x38;
	[tilespmem:$0x13080] =	vst v63  }
0x7f: {  	_ =	swait.ge [sflag:s1], $0x2000  }
0x80: {  	[sflag:s1] =	ssyncset.done $0x0  }
0x81: {  	[sflag:s1] =	ssyncadd.s32 $0xFFFFE000  }
0x82: {  	[spmem:s15] =	stream.linear.scatter [tilespmem:s0], [sflag:$0x1], $0x2000, $0x38;
	[tilespmem:$0x13080] =	vst v63  }
0x83: {  	_ =	swait.ge [sflag:s1], $0x2000  }
0x84: {  	[sflag:s1] =	ssyncset.done $0x0  }
0x85: {  	[sflag:s1] =	ssyncadd.s32 $0xFFFFE000  }
0x86: {  	[spmem:s26] =	stream.linear.scatter [tilespmem:s0], [sflag:$0x1], $0x2000, $0x38;
	[tilespmem:$0x13080] =	vst v63  }
0x87: {  	_ =	swait.ge [sflag:s1], $0x2000  }
0x88: {  	[sflag:s1] =	ssyncset.done $0x0  }
0x89: {  	[sflag:s1] =	ssyncadd.s32 $0xFFFFE000  }
0x8a: {  	[spmem:s28] =	stream.linear.scatter [tilespmem:s0], [sflag:$0x1], $0x2000, $0x38;
	[tilespmem:$0x13080] =	vst v63  }
0x8b: {  	_ =	swait.ge [sflag:s1], $0x2000  }
0x8c: {  	[sflag:s1] =	ssyncset.done $0x0  }
0x8d: {  	[sflag:s1] =	ssyncadd.s32 $0xFFFFE000  }
0x8e: {  	[spmem:s29] =	stream.linear.scatter [tilespmem:s0], [sflag:$0x1], $0x2000, $0x38;
	[tilespmem:$0x13080] =	vst v63  }
0x8f: {  	_ =	swait.ge [sflag:s1], $0x2000  }
0x90: {  	[sflag:s1] =	ssyncset.done $0x0  }
0x91: {  	[sflag:s1] =	ssyncadd.s32 $0xFFFFE000  }
0x92: {  	[spmem:s30] =	stream.linear.scatter [tilespmem:s0], [sflag:$0x1], $0x2000, $0x38;
	[tilespmem:$0x13080] =	vst v63  }
0x93: {  	_ =	swait.ge [sflag:s1], $0x2000  }
0x94: {  	[sflag:s1] =	ssyncset.done $0x0  }
0x95: {  	[sflag:s1] =	ssyncadd.s32 $0xFFFFE000  }
0x96: {  	[spmem:s31] =	stream.linear.scatter [tilespmem:s0], [sflag:$0x1], $0x2000, $0x38;
	[tilespmem:$0x13080] =	vst v63  }
.Ltmp3:
0x97: {  	_ =	swait.ge [sflag:s1], $0x2000;
	(pc) =	sbr.rel @p0 .LBB2_7-.Ltmp3, $4  }
0x98: {  	[sflag:s1] =	ssyncset.done $0x0  }
0x99: {  	[sflag:s1] =	ssyncadd.s32 $0xFFFFE000  }
0x9a: {  	[bflag:$0x0] =	sbarrier.arrive $0xFFFF  }
0x9b: {  	s10 =	sadd.s32 $0x0, s25  }
0x9c: {  	[tilespmem:s3], [sflag:$0x1] =	stream.linear.gather [hbm4b:s10+s3], $0x80, $0x38;
	[tilespmem:$0x13080] =	vst v63  }
0x9d: {  	_ =	swait.ge [sflag:s1], $0x80  }
0x9e: {  	[sflag:s1] =	ssyncset.done $0x0  }
0x9f: {  	[sflag:s1] =	ssyncadd.s32 $0xFFFFFF80  }
0xa0: {  	[tilespmem:s7], [sflag:$0x1] =	stream.strided.gather [hbm4b:s23+s5], $0x1000, s6, s5, $0x38;
	[tilespmem:$0x13080] =	vst v63  }
0xa1: {  	_ =	swait.ge [sflag:s1], $0x1000  }
0xa2: {  	[sflag:s1] =	ssyncset.done $0x0  }
0xa3: {  	[sflag:s1] =	ssyncadd.s32 $0xFFFFF000  }
0xa4: {  	[spmem:s2] =	stream.indirect.scatter.add.f32 [tilespmem:s7], [sflag:$0x1], $0x20, s3, s7, $0xb8;
	[tilespmem:$0x13080] =	vst v63  }
0xa5: {  	s11 =	simm.s32 $0x10;
	_ =	swait.ge [sflag:s1], $0x1000  }
0xa6: {  	s12 =	simm.s32 $0x20;
	s10 =	sadd.s32 $0x400, s23;
	[sflag:s1] =	ssyncset.done $0x0  }
.LBB2_5:
0xa7: {  	s13 =	sadd.s32 s11, s25  }
0xa8: {  	[sflag:s1] =	ssyncadd.s32 $0xFFFFF000;
	s11 =	smov.u32 s12;
	s14 =	sadd.s32 $0x10, s12  }
0xa9: {  	[tilespmem:s3], [sflag:$0x1] =	stream.linear.gather [hbm4b:s13+s3], $0x80, $0x38;
	[tilespmem:$0x13080] =	vst v63  }
0xaa: {  	p2 =	seq.s32 s12, $0x610;
	_ =	swait.ge [sflag:s1], $0x80  }
0xab: {  	[sflag:s1] =	ssyncset.done $0x0  }
0xac: {  	[sflag:s1] =	ssyncadd.s32 $0xFFFFFF80  }
0xad: {  	[tilespmem:s7], [sflag:$0x1] =	stream.strided.gather [hbm4b:s10+s5], $0x1000, s6, s5, $0x38;
	[tilespmem:$0x13080] =	vst v63  }
0xae: {  	_ =	swait.ge [sflag:s1], $0x1000  }
.Ltmp4:
0xaf: {  	[sflag:s1] =	ssyncset.done $0x0;
	(pc) =	sbr.rel @!p2 .LBB2_5-.Ltmp4, $4  }
0xb0: {  	[sflag:s1] =	ssyncadd.s32 $0xFFFFF000  }
0xb1: {  	[spmem:s2] =	stream.indirect.scatter.add.f32 [tilespmem:s7], [sflag:$0x1], $0x20, s3, s7, $0xb8;
	[tilespmem:$0x13080] =	vst v63  }
0xb2: {  	_ =	swait.ge [sflag:s1], $0x1000  }
0xb3: {  	s12 =	smov.u32 s14;
	s10 =	sadd.s32 $0x400, s10;
	[sflag:s1] =	ssyncset.done $0x0  }
0xb4: {  	s11 =	sadd.s32 s11, s25;
	[sflag:s1] =	ssyncadd.s32 $0xFFFFF000  }
0xb5: {  	[tilespmem:s3], [sflag:$0x1] =	stream.linear.gather [hbm4b:s11+s3], $0x80, $0x38;
	[tilespmem:$0x13080] =	vst v63  }
0xb6: {  	_ =	swait.ge [sflag:s1], $0x80  }
0xb7: {  	[sflag:s1] =	ssyncset.done $0x0  }
0xb8: {  	[sflag:s1] =	ssyncadd.s32 $0xFFFFFF80  }
0xb9: {  	[tilespmem:s7], [sflag:$0x1] =	stream.strided.gather [hbm4b:s10+s5], $0x1000, s6, s5, $0x38;
	[tilespmem:$0x13080] =	vst v63  }
0xba: {  	_ =	swait.ge [sflag:s1], $0x1000  }
0xbb: {  	[sflag:s1] =	ssyncset.done $0x0  }
.Ltmp5:
0xbc: {  	[sflag:s1] =	ssyncadd.s32 $0xFFFFF000;
	(pc) =	sbr.rel .LBB2_10-.Ltmp5, $4  }
0xbd: {  	[spmem:s2] =	stream.indirect.scatter.add.f32 [tilespmem:s7], [sflag:$0x1], $0x20, s3, s7, $0xb8;
	[tilespmem:$0x13080] =	vst v63  }
0xbe: {  	_ =	swait.ge [sflag:s1], $0x1000  }
0xbf: {  	[sflag:s1] =	ssyncset.done $0x0  }
0xc0: {  	[sflag:s1] =	ssyncadd.s32 $0xFFFFF000  }
.LBB2_7:
0xc1: {  	[tilespmem:s3], [sflag:$0x1] =	stream.linear.gather [hbm4b:s10+s3], $0x80, $0x38;
	[tilespmem:$0x13080] =	vst v63  }
0xc2: {  	_ =	swait.ge [sflag:s1], $0x80  }
0xc3: {  	[sflag:s1] =	ssyncset.done $0x0  }
0xc4: {  	[sflag:s1] =	ssyncadd.s32 $0xFFFFFF80  }
0xc5: {  	[tilespmem:s7], [sflag:$0x1] =	stream.strided.gather [hbm4b:s24+s5], $0x1000, s6, s5, $0x38;
	[tilespmem:$0x13080] =	vst v63  }
0xc6: {  	_ =	swait.ge [sflag:s1], $0x1000  }
0xc7: {  	[sflag:s1] =	ssyncset.done $0x0  }
0xc8: {  	[sflag:s1] =	ssyncadd.s32 $0xFFFFF000  }
0xc9: {  	[spmem:s2] =	stream.indirect.scatter.add.f32 [tilespmem:s7], [sflag:$0x1], $0x20, s3, s7, $0xb8;
	[tilespmem:$0x13080] =	vst v63  }
0xca: {  	s11 =	simm.s32 $0x10;
	_ =	swait.ge [sflag:s1], $0x1000  }
0xcb: {  	s12 =	simm.s32 $0x20;
	s10 =	sadd.s32 $0x400, s24;
	[sflag:s1] =	ssyncset.done $0x0  }
.LBB2_8:
0xcc: {  	s13 =	sadd.s32 s11, s25  }
0xcd: {  	[sflag:s1] =	ssyncadd.s32 $0xFFFFF000;
	s11 =	smov.u32 s12;
	s14 =	sadd.s32 $0x10, s12  }
0xce: {  	[tilespmem:s3], [sflag:$0x1] =	stream.linear.gather [hbm4b:s13+s3], $0x80, $0x38;
	[tilespmem:$0x13080] =	vst v63  }
0xcf: {  	p2 =	sne.s32 s12, $0x610;
	_ =	swait.ge [sflag:s1], $0x80  }
0xd0: {  	[sflag:s1] =	ssyncset.done $0x0  }
0xd1: {  	[sflag:s1] =	ssyncadd.s32 $0xFFFFFF80  }
0xd2: {  	[tilespmem:s7], [sflag:$0x1] =	stream.strided.gather [hbm4b:s10+s5], $0x1000, s6, s5, $0x38;
	[tilespmem:$0x13080] =	vst v63  }
0xd3: {  	_ =	swait.ge [sflag:s1], $0x1000  }
.Ltmp6:
0xd4: {  	[sflag:s1] =	ssyncset.done $0x0;
	(pc) =	sbr.rel @p2 .LBB2_8-.Ltmp6, $4  }
0xd5: {  	[sflag:s1] =	ssyncadd.s32 $0xFFFFF000  }
0xd6: {  	[spmem:s2] =	stream.indirect.scatter.add.f32 [tilespmem:s7], [sflag:$0x1], $0x20, s3, s7, $0xb8;
	[tilespmem:$0x13080] =	vst v63  }
0xd7: {  	_ =	swait.ge [sflag:s1], $0x1000  }
0xd8: {  	s12 =	smov.u32 s14;
	s10 =	sadd.s32 $0x400, s10;
	[sflag:s1] =	ssyncset.done $0x0  }
.Ltmp7:
0xd9: {  	_ = 	snop;
	(pc) =	sbr.rel .LBB2_9-.Ltmp7, $1  }
0xda: {  	_ =	sdelay $0x3  }
.LBB2_11:
0xdb: {  	_ =	sfence.sel $0x180000  }
0xdc: {  	[bflag:$0x0] =	sbarrier.arrive $0xFFFF  }
0xdd: {  	_ =	strace $0x90000047  }
0xde: {  	s0 =	stileid.u32;
	[bflag:$0x2] =	sbarrier.arrive $0xFFFF  }
0xdf: {  	p0 =	sne.s32 s0, $0x0;
	s0 =	rddreg [dreg:$0x3]  }
0xe0: {  	s0 =	sadd.s32 @!p0 $0x100000, s0  }
0xe1: {  	[sflag:s0] =	ssyncadd.tile.s32 @!p0 $0x1;
	_ =	shalt  }
.Lfunc_end2:
_tile_overlayer_lowered:
.L_overlay_start_2:
0xe2: {  	(tag) =	ssettag $0x2  }
0xe3: {  	s0 =	rddreg [dreg:$0x0];
	s2 =	stileid.u32  }
0xe4: {  	s1 =	rddreg [dreg:$0x1];
	p0 =	sne.s32 s2, $0x0  }
0xe5: {  	s3 =	rddreg [dreg:$0x2];
	[bflag:$0x3] =	sbarrier.arrive $0xFFFF;
	s2 =	simm.s32 @!p0 $0x1C01  }
0xe6: {  	[timem:s3], [sflag:s2] =	dma.local @!p0 [hbm:s0], s1  }
0xe7: {  	s0 =	simm.s32 @!p0 $0x1  }
0xe8: {  	_ =	swait.ge @!p0 [sflag:s0], s1  }
0xe9: {  	s1 =	ssub.s32 @!p0 $0x0, s1;
	[sflag:s0] =	ssyncset.done @!p0 $0x0  }
0xea: {  	[sflag:s0] =	ssyncadd.s32 @!p0 s1  }
0xeb: {  	[bflag:$0x3] =	sbarrier.arrive $0xFFFF  }
0xec: {  	_ =	shalt  }

</sc_bundles>
